<compile_context>
chip_gen: v7x
topology: tpu7x:2x2x1
jax: 0.10.2.dev20260603
libtpu: 0.0.44.dev20260713+nightly
codegen_flags: <defaults>
</compile_context>

<pallas_src>
import jax
import jax.numpy as jnp
from jax import lax
from jax.experimental import pallas as pl
from jax.experimental.pallas import tpu as pltpu
from jax.experimental.pallas import tpu_sc as plsc

N = 10000
E = 320000
D = 128

NC = 2
NS = 16
NW = NC * NS
SUB = 128
ROWS_PER_TILE = 80
R0 = 120
R1 = 40
SBR = 64
EPAD = NW * ROWS_PER_TILE * SUB
CROWS = NW * R0 + 32
N_TAB = 10016
DUMMY = N
NPT = 624
DEGW = 16

_MESH = plsc.VectorSubcoreMesh(core_axis_name="c", subcore_axis_name="s")


def _conv_sc_body(h_hbm, src_hbm, dst_hbm, m_out,
                  src_v, dst_v, rows_a, rows_b, m_sh, sem_a, sem_b):
    c = lax.axis_index("c")
    s = lax.axis_index("s")
    t = c * NS + s

    def _zrow(r, _):
        for cc in range(D // 16):
            rows_a[r, pl.ds(cc * 16, 16)] = jnp.zeros((16,), jnp.float32)
        return 0

    lax.fori_loop(0, SUB, _zrow, 0)

    base = s * NPT
    for j in range(NPT // SUB):
        pltpu.sync_copy(rows_a, m_sh.at[pl.ds(base + j * SUB, SUB)])
    pltpu.sync_copy(rows_a.at[pl.ds(0, NPT % SUB)],
                    m_sh.at[pl.ds(base + (NPT // SUB) * SUB, NPT % SUB)])

    @pl.when(s == NS - 1)
    def _zero_tail():
        off = NS * NPT
        pltpu.sync_copy(rows_a.at[pl.ds(0, N_TAB - NS * NPT)],
                        m_sh.at[pl.ds(off, N_TAB - NS * NPT)])

    plsc.subcore_barrier()

    nrows = lax.select(c == 0, R0, R1)

    for sb in range(2):
        sb_off = t * R0 + sb * SBR
        pltpu.sync_copy(src_hbm.at[pl.ds(sb_off, SBR)], src_v)
        pltpu.sync_copy(dst_hbm.at[pl.ds(sb_off, SBR)], dst_v)
        cnt = jnp.clip(nrows - sb * SBR, 0, SBR)

        @pl.when(cnt > 0)
        def _prime():
            pltpu.async_copy(h_hbm.at[src_v.at[0]], rows_a, sem_a)

        def _pair(i, _):
            k0 = 2 * i
            k1 = k0 + 1
            pltpu.async_copy(h_hbm.at[src_v.at[k1]], rows_b, sem_b)
            pltpu.make_async_copy(h_hbm.at[src_v.at[0]], rows_a, sem_a).wait()
            pltpu.sync_copy(rows_a, m_sh.at[dst_v.at[k0]], add=True)
            k2 = jnp.minimum(k0 + 2, cnt - 1)
            pltpu.async_copy(h_hbm.at[src_v.at[k2]], rows_a, sem_a)
            pltpu.make_async_copy(h_hbm.at[src_v.at[0]], rows_b, sem_b).wait()
            pltpu.sync_copy(rows_b, m_sh.at[dst_v.at[k1]], add=True)
            return 0

        lax.fori_loop(0, cnt // 2, _pair, 0)

        @pl.when(cnt > 0)
        def _drain():
            pltpu.make_async_copy(h_hbm.at[src_v.at[0]], rows_a, sem_a).wait()

    plsc.subcore_barrier()

    pltpu.sync_copy(m_sh.at[pl.ds(base, NPT)], m_out.at[c, pl.ds(base, NPT)])

    @pl.when(s == NS - 1)
    def _wb_tail():
        off = NS * NPT
        pltpu.sync_copy(m_sh.at[pl.ds(off, N - NS * NPT)],
                        m_out.at[c, pl.ds(off, N - NS * NPT)])


_conv_sc = pl.kernel(
    _conv_sc_body,
    out_type=pltpu.HBM((NC, N, D), jnp.float32),
    mesh=_MESH,
    scratch_types=[
        pltpu.VMEM((SBR, SUB), jnp.int32),
        pltpu.VMEM((SBR, SUB), jnp.int32),
        pltpu.VMEM((SUB, D), jnp.float32),
        pltpu.VMEM((SUB, D), jnp.float32),
        pltpu.VMEM_SHARED((N_TAB, D), jnp.float32),
        pltpu.SemaphoreType.DMA,
        pltpu.SemaphoreType.DMA,
    ],
    name="conv_sc")


def _deg_sc_body(dst_hbm, deg_out, dst_v, ones_v, deg_sh):
    c = lax.axis_index("c")
    s = lax.axis_index("s")
    t = c * NS + s

    def _fill(val):
        def _row(r, _):
            for cc in range(D // 16):
                ones_v[r, pl.ds(cc * 16, 16)] = jnp.full((16,), val,
                                                         jnp.float32)
            return 0
        lax.fori_loop(0, SUB, _row, 0)

    _fill(0.0)
    base = s * NPT
    for j in range(NPT // SUB):
        pltpu.sync_copy(ones_v, deg_sh.at[pl.ds(base + j * SUB, SUB)])
    pltpu.sync_copy(ones_v.at[pl.ds(0, NPT % SUB)],
                    deg_sh.at[pl.ds(base + (NPT // SUB) * SUB, NPT % SUB)])

    @pl.when(s == NS - 1)
    def _zero_tail():
        off = NS * NPT
        pltpu.sync_copy(ones_v.at[pl.ds(0, N_TAB - NS * NPT)],
                        deg_sh.at[pl.ds(off, N_TAB - NS * NPT)])

    _fill(1.0)
    pltpu.sync_copy(dst_hbm.at[pl.ds(t * ROWS_PER_TILE, ROWS_PER_TILE)], dst_v)

    plsc.subcore_barrier()

    def _edge_chunk(k, _):
        pltpu.sync_copy(ones_v, deg_sh.at[dst_v.at[k]], add=True)
        return 0

    lax.fori_loop(0, ROWS_PER_TILE, _edge_chunk, 0)

    plsc.subcore_barrier()

    pltpu.sync_copy(deg_sh.at[pl.ds(base, NPT)],
                    deg_out.at[c, pl.ds(base, NPT)])

    @pl.when(s == NS - 1)
    def _wb_tail():
        off = NS * NPT
        pltpu.sync_copy(deg_sh.at[pl.ds(off, N - NS * NPT)],
                        deg_out.at[c, pl.ds(off, N - NS * NPT)])


_deg_sc = pl.kernel(
    _deg_sc_body,
    out_type=pltpu.HBM((NC, N, D), jnp.float32),
    mesh=_MESH,
    scratch_types=[
        pltpu.VMEM((ROWS_PER_TILE, SUB), jnp.int32),
        pltpu.VMEM((SUB, D), jnp.float32),
        pltpu.VMEM_SHARED((N_TAB, D), jnp.float32),
    ],
    name="deg_sc")


def _enc_body(x_ref, w0_ref, b0_ref, w1_ref, b1_ref, o_ref):
    h = jnp.maximum(
        jnp.dot(x_ref[...], w0_ref[...], preferred_element_type=jnp.float32)
        + b0_ref[...], 0.0)
    o_ref[...] = jnp.maximum(
        jnp.dot(h, w1_ref[...], preferred_element_type=jnp.float32)
        + b1_ref[...], 0.0)


def _scale_body(d_ref, o_ref):
    deg = d_ref[0, :, 0:1] + d_ref[1, :, 0:1]
    o_ref[...] = 1.0 / jnp.maximum(deg, 1.0)


def _upd_body(m_ref, s_ref, h_ref, w_ref, b_ref, o_ref):
    m = m_ref[0] + m_ref[1]
    o_ref[...] = jnp.maximum(
        jnp.dot(m * s_ref[...], w_ref[...], preferred_element_type=jnp.float32)
        + b_ref[...] + h_ref[...], 0.0)


def _head_body(h_ref, w0_ref, b0_ref, w1t_ref, b1_ref, o_ref):
    obj = jnp.mean(h_ref[...], axis=0, keepdims=True)
    z = jnp.maximum(
        jnp.dot(obj, w0_ref[...], preferred_element_type=jnp.float32)
        + b0_ref[...], 0.0)
    o_ref[...] = jnp.sum(z * w1t_ref[...], axis=1, keepdims=True) + b1_ref[...]


def _tc_call(body, out_shape):
    return pl.pallas_call(body, out_shape=out_shape)


def kernel(x, edge_index, enc_W0, enc_b0, enc_W1, enc_b1,
           conv_W0, conv_b0, conv_W1, conv_b1, conv_W2, conv_b2,
           pred_W0, pred_b0, pred_W1, pred_b1):
    pad = EPAD - E
    pad_dst = DUMMY + (jnp.arange(pad, dtype=jnp.int32) % (N_TAB - N))
    src2d = jnp.concatenate(
        [edge_index[0], jnp.zeros((pad,), jnp.int32)]).reshape(EPAD // SUB, SUB)
    dst2d = jnp.concatenate(
        [edge_index[1], pad_dst]).reshape(EPAD // SUB, SUB)

    nd = NS * (R0 - R1) * SUB
    dummy_src = jnp.zeros((NS, R0 - R1, SUB), jnp.int32)
    dummy_dst = (DUMMY + (jnp.arange(nd, dtype=jnp.int32) % (N_TAB - N))
                 ).reshape(NS, R0 - R1, SUB)
    tail = CROWS - NW * R0
    src3 = jnp.concatenate([
        src2d[:NS * R0],
        jnp.concatenate([src2d[NS * R0:].reshape(NS, R1, SUB), dummy_src],
                        axis=1).reshape(NS * (R0 - R1) + NS * R1, SUB),
        jnp.zeros((tail, SUB), jnp.int32)])
    dst3 = jnp.concatenate([
        dst2d[:NS * R0],
        jnp.concatenate([dst2d[NS * R0:].reshape(NS, R1, SUB), dummy_dst],
                        axis=1).reshape(NS * (R0 - R1) + NS * R1, SUB),
        jnp.full((tail, SUB), DUMMY, jnp.int32)])

    h = _tc_call(_enc_body, jax.ShapeDtypeStruct((N, D), jnp.float32))(
        x, enc_W0, enc_b0.reshape(1, D), enc_W1, enc_b1.reshape(1, D))

    deg_parts = _deg_sc(dst2d)
    scale = _tc_call(_scale_body, jax.ShapeDtypeStruct((N, 1), jnp.float32))(
        deg_parts)

    Ws = jnp.stack([conv_W0, conv_W1, conv_W2])
    bs = jnp.stack([conv_b0.reshape(1, D), conv_b1.reshape(1, D),
                    conv_b2.reshape(1, D)])

    def _layer(h_carry, Wb):
        W, b = Wb
        m_parts = _conv_sc(h_carry, src3, dst3)
        h_next = _tc_call(_upd_body, jax.ShapeDtypeStruct((N, D), jnp.float32))(
            m_parts, scale, h_carry, W, b)
        return h_next, 0

    h, _ = lax.scan(_layer, h, (Ws, bs))

    out = _tc_call(_head_body, jax.ShapeDtypeStruct((1, 1), jnp.float32))(
        h, pred_W0, pred_b0.reshape(1, D), pred_W1.reshape(1, D),
        pred_b1.reshape(1, 1))
    return out.reshape(())

# --- scband reference (transcript-rebuilt; emitter-appended) ---
"""Pipeline reference for scband-gnn-6932077216369 (READ-ONLY COPY).

The authoritative reference and input builder live on the scoring server;
editing this copy changes nothing except your own understanding.
"""

import jax, jax.numpy as jnp
import numpy as np

N = 10000
E = 320000
D = 128
H = 128

def setup_inputs(seed: int = 0):
    key = jax.random.key(seed)
    ks = jax.random.split(key, 20)
    inp = {}
    inp['x'] = jax.random.normal(ks[0], (N, D), dtype=jnp.float32)
    inp['edge_index'] = jax.random.randint(ks[1], (2, E), 0, N, dtype=jnp.int32)
    def w(k, shape):
        return jax.random.normal(k, shape, dtype=jnp.float32) / np.sqrt(shape[0])
    inp['enc_W0'] = w(ks[2], (D, H)); inp['enc_b0'] = jnp.zeros((H,), jnp.float32)
    inp['enc_W1'] = w(ks[3], (H, H)); inp['enc_b1'] = jnp.zeros((H,), jnp.float32)
    inp['conv_W0'] = w(ks[4], (H, H)); inp['conv_b0'] = jnp.zeros((H,), jnp.float32)
    inp['conv_W1'] = w(ks[5], (H, H)); inp['conv_b1'] = jnp.zeros((H,), jnp.float32)
    inp['conv_W2'] = w(ks[6], (H, H)); inp['conv_b2'] = jnp.zeros((H,), jnp.float32)
    inp['pred_W0'] = w(ks[7], (H, H)); inp['pred_b0'] = jnp.zeros((H,), jnp.float32)
    inp['pred_W1'] = w(ks[8], (H, 1)); inp['pred_b1'] = jnp.zeros((1,), jnp.float32)
    return inp

def _gnn(x, edge_index, enc, convs, pred):
    src = edge_index[0]
    dst = edge_index[1]
    h = x
    # node encoder MLP (num_encode_layers=2)
    for W, b in enc:
        h = jax.nn.relu(h @ W + b)
    # mean-aggregation message passing convs (num_conv_layers=3) with residual
    deg = jax.ops.segment_sum(jnp.ones((E,), jnp.float32), dst, num_segments=N)
    deg = jnp.clip(deg, 1.0, None)[:, None]
    for W, b in convs:
        m = jax.ops.segment_sum(h[src], dst, num_segments=N)
        h = jax.nn.relu((m / deg) @ W + b + h)
    # global mean pool -> graph-level obj_pred
    obj = jnp.mean(h, axis=0)
    # predictor MLP: [hid_dim]*num_pred_layers + [1]
    W0, b0 = pred[0]
    W1, b1 = pred[1]
    z = jax.nn.relu(obj @ W0 + b0)
    out = z @ W1 + b1
    return jnp.squeeze(out)

def reference(x, edge_index, enc_W0, enc_b0, enc_W1, enc_b1, conv_W0, conv_b0, conv_W1, conv_b1, conv_W2, conv_b2, pred_W0, pred_b0, pred_W1, pred_b1):
    return _gnn(x, edge_index,
                [(enc_W0, enc_b0), (enc_W1, enc_b1)],
                [(conv_W0, conv_b0), (conv_W1, conv_b1), (conv_W2, conv_b2)],
                [(pred_W0, pred_b0), (pred_W1, pred_b1)])

if __name__ == "__main__":
    import jax
    _d = setup_inputs()
    print(jax.jit(kernel)(*tuple(_d.values())))

</pallas_src>

<mosaic_0001>
#map = affine_map<(d0, d1) -> (0, 0)>
#map1 = affine_map<(d0, d1) -> (0, 0, 0)>
module attributes {stable_mosaic.version = 14 : i64} {
  func.func @conv_sc(%arg0: i32, %arg1: i32, %arg2: memref<10000x128xf32, #tpu.memory_space<hbm>>, %arg3: memref<3872x128xi32, #tpu.memory_space<hbm>>, %arg4: memref<3872x128xi32, #tpu.memory_space<hbm>>, %arg5: memref<2x10000x128xf32, #tpu.memory_space<hbm>>, %arg6: memref<64x128xi32, #tpu.memory_space<vmem>>, %arg7: memref<64x128xi32, #tpu.memory_space<vmem>>, %arg8: memref<128x128xf32, #tpu.memory_space<vmem>>, %arg9: memref<128x128xf32, #tpu.memory_space<vmem>>, %arg10: memref<10016x128xf32, #tpu.memory_space<vmem_shared>>, %arg11: memref<!tpu.dma_semaphore, #tpu.memory_space<semaphore_mem>>, %arg12: memref<!tpu.dma_semaphore, #tpu.memory_space<semaphore_mem>>) attributes {dimension_semantics = [#tpu.dimension_semantics<core_parallel>, #tpu.dimension_semantics<subcore_parallel>], iteration_bounds = array<i64: 2, 16>, scalar_prefetch = 0 : i64, scratch_operands = 7 : i64, tpu.core_type = #tpu.core_type<sc_vector_subcore>, window_params = [{transform_indices = #map}, {transform_indices = #map}, {transform_indices = #map}, {transform_indices = #map1}]} {
    %mul3A = arith.constant 16 : i32
    %mul3A_0 = arith.muli %arg0, %mul3A : i32
    %add3A = arith.addi %mul3A_0, %arg1 : i32
    %scan3A = arith.constant 0 : i32
    %scan3A_1 = arith.constant 0 : i32
    %scan3A_2 = arith.constant 128 : i32
    %scan3A_3 = arith.addi %scan3A_1, %scan3A_2 : i32
    %scan3A_4 = arith.constant 1 : i32
    %scan3A_5 = scf.for %scan3A_132 = %scan3A_1 to %scan3A_3 step %scan3A_4 iter_args(%scan3A_133 = %scan3A) -> (i32)  : i32 {
      %broadcast_in_dim3A = arith.constant 0.000000e+00 : f32
      %broadcast_in_dim3A_134 = vector.broadcast %broadcast_in_dim3A : f32 to vector<16xf32>
      %swap3A = arith.index_cast %scan3A_132 : i32 to index
      %swap3A_135 = arith.constant 0 : index
      %swap3A_136 = tpu.vector_load %arg8[%swap3A, %swap3A_135] {strides = array<i32>} : memref<128x128xf32, #tpu.memory_space<vmem>>, vector<1x16xf32>,
      %swap3A_137 = vector.shape_cast %swap3A_136 : vector<1x16xf32> to vector<16xf32>
      %swap3A_138 = vector.shape_cast %broadcast_in_dim3A_134 : vector<16xf32> to vector<1x16xf32>
      tpu.vector_store %arg8[%swap3A, %swap3A_135], %swap3A_138 {strides = array<i32>} : memref<128x128xf32, #tpu.memory_space<vmem>>, vector<1x16xf32>,
      %broadcast_in_dim3A_139 = arith.constant 0.000000e+00 : f32
      %broadcast_in_dim3A_140 = vector.broadcast %broadcast_in_dim3A_139 : f32 to vector<16xf32>
      %swap3A_141 = arith.index_cast %scan3A_132 : i32 to index
      %swap3A_142 = arith.constant 16 : index
      %swap3A_143 = tpu.vector_load %arg8[%swap3A_141, %swap3A_142] {strides = array<i32>} : memref<128x128xf32, #tpu.memory_space<vmem>>, vector<1x16xf32>,
      %swap3A_144 = vector.shape_cast %swap3A_143 : vector<1x16xf32> to vector<16xf32>
      %swap3A_145 = vector.shape_cast %broadcast_in_dim3A_140 : vector<16xf32> to vector<1x16xf32>
      tpu.vector_store %arg8[%swap3A_141, %swap3A_142], %swap3A_145 {strides = array<i32>} : memref<128x128xf32, #tpu.memory_space<vmem>>, vector<1x16xf32>,
      %broadcast_in_dim3A_146 = arith.constant 0.000000e+00 : f32
      %broadcast_in_dim3A_147 = vector.broadcast %broadcast_in_dim3A_146 : f32 to vector<16xf32>
      %swap3A_148 = arith.index_cast %scan3A_132 : i32 to index
      %swap3A_149 = arith.constant 32 : index
      %swap3A_150 = tpu.vector_load %arg8[%swap3A_148, %swap3A_149] {strides = array<i32>} : memref<128x128xf32, #tpu.memory_space<vmem>>, vector<1x16xf32>,
      %swap3A_151 = vector.shape_cast %swap3A_150 : vector<1x16xf32> to vector<16xf32>
      %swap3A_152 = vector.shape_cast %broadcast_in_dim3A_147 : vector<16xf32> to vector<1x16xf32>
      tpu.vector_store %arg8[%swap3A_148, %swap3A_149], %swap3A_152 {strides = array<i32>} : memref<128x128xf32, #tpu.memory_space<vmem>>, vector<1x16xf32>,
      %broadcast_in_dim3A_153 = arith.constant 0.000000e+00 : f32
      %broadcast_in_dim3A_154 = vector.broadcast %broadcast_in_dim3A_153 : f32 to vector<16xf32>
      %swap3A_155 = arith.index_cast %scan3A_132 : i32 to index
      %swap3A_156 = arith.constant 48 : index
      %swap3A_157 = tpu.vector_load %arg8[%swap3A_155, %swap3A_156] {strides = array<i32>} : memref<128x128xf32, #tpu.memory_space<vmem>>, vector<1x16xf32>,
      %swap3A_158 = vector.shape_cast %swap3A_157 : vector<1x16xf32> to vector<16xf32>
      %swap3A_159 = vector.shape_cast %broadcast_in_dim3A_154 : vector<16xf32> to vector<1x16xf32>
      tpu.vector_store %arg8[%swap3A_155, %swap3A_156], %swap3A_159 {strides = array<i32>} : memref<128x128xf32, #tpu.memory_space<vmem>>, vector<1x16xf32>,
      %broadcast_in_dim3A_160 = arith.constant 0.000000e+00 : f32
      %broadcast_in_dim3A_161 = vector.broadcast %broadcast_in_dim3A_160 : f32 to vector<16xf32>
      %swap3A_162 = arith.index_cast %scan3A_132 : i32 to index
      %swap3A_163 = arith.constant 64 : index
      %swap3A_164 = tpu.vector_load %arg8[%swap3A_162, %swap3A_163] {strides = array<i32>} : memref<128x128xf32, #tpu.memory_space<vmem>>, vector<1x16xf32>,
      %swap3A_165 = vector.shape_cast %swap3A_164 : vector<1x16xf32> to vector<16xf32>
      %swap3A_166 = vector.shape_cast %broadcast_in_dim3A_161 : vector<16xf32> to vector<1x16xf32>
      tpu.vector_store %arg8[%swap3A_162, %swap3A_163], %swap3A_166 {strides = array<i32>} : memref<128x128xf32, #tpu.memory_space<vmem>>, vector<1x16xf32>,
      %broadcast_in_dim3A_167 = arith.constant 0.000000e+00 : f32
      %broadcast_in_dim3A_168 = vector.broadcast %broadcast_in_dim3A_167 : f32 to vector<16xf32>
      %swap3A_169 = arith.index_cast %scan3A_132 : i32 to index
      %swap3A_170 = arith.constant 80 : index
      %swap3A_171 = tpu.vector_load %arg8[%swap3A_169, %swap3A_170] {strides = array<i32>} : memref<128x128xf32, #tpu.memory_space<vmem>>, vector<1x16xf32>,
      %swap3A_172 = vector.shape_cast %swap3A_171 : vector<1x16xf32> to vector<16xf32>
      %swap3A_173 = vector.shape_cast %broadcast_in_dim3A_168 : vector<16xf32> to vector<1x16xf32>
      tpu.vector_store %arg8[%swap3A_169, %swap3A_170], %swap3A_173 {strides = array<i32>} : memref<128x128xf32, #tpu.memory_space<vmem>>, vector<1x16xf32>,
      %broadcast_in_dim3A_174 = arith.constant 0.000000e+00 : f32
      %broadcast_in_dim3A_175 = vector.broadcast %broadcast_in_dim3A_174 : f32 to vector<16xf32>
      %swap3A_176 = arith.index_cast %scan3A_132 : i32 to index
      %swap3A_177 = arith.constant 96 : index
      %swap3A_178 = tpu.vector_load %arg8[%swap3A_176, %swap3A_177] {strides = array<i32>} : memref<128x128xf32, #tpu.memory_space<vmem>>, vector<1x16xf32>,
      %swap3A_179 = vector.shape_cast %swap3A_178 : vector<1x16xf32> to vector<16xf32>
      %swap3A_180 = vector.shape_cast %broadcast_in_dim3A_175 : vector<16xf32> to vector<1x16xf32>
      tpu.vector_store %arg8[%swap3A_176, %swap3A_177], %swap3A_180 {strides = array<i32>} : memref<128x128xf32, #tpu.memory_space<vmem>>, vector<1x16xf32>,
      %broadcast_in_dim3A_181 = arith.constant 0.000000e+00 : f32
      %broadcast_in_dim3A_182 = vector.broadcast %broadcast_in_dim3A_181 : f32 to vector<16xf32>
      %swap3A_183 = arith.index_cast %scan3A_132 : i32 to index
      %swap3A_184 = arith.constant 112 : index
      %swap3A_185 = tpu.vector_load %arg8[%swap3A_183, %swap3A_184] {strides = array<i32>} : memref<128x128xf32, #tpu.memory_space<vmem>>, vector<1x16xf32>,
      %swap3A_186 = vector.shape_cast %swap3A_185 : vector<1x16xf32> to vector<16xf32>
      %swap3A_187 = vector.shape_cast %broadcast_in_dim3A_182 : vector<16xf32> to vector<1x16xf32>
      tpu.vector_store %arg8[%swap3A_183, %swap3A_184], %swap3A_187 {strides = array<i32>} : memref<128x128xf32, #tpu.memory_space<vmem>>, vector<1x16xf32>,
      %scan3A_188 = arith.constant 0 : i32
      scf.yield %scan3A_188 : i32
    }
    %scan3A_6 = arith.constant 128 : i32
    %mul3A_7 = arith.constant 624 : i32
    %mul3A_8 = arith.muli %arg1, %mul3A_7 : i32
    %add3A_9 = arith.constant 0 : i32
    %add3A_10 = arith.addi %mul3A_8, %add3A_9 : i32
    "tpu.region"() ({
      %run_scoped3A = tpu.sem_alloc : memref<!tpu.dma_semaphore, #tpu.memory_space<semaphore_mem>>
      %dma_start3A = arith.constant 0 : i32
      %dma_start3A_132 = tpu.memref_slice %arg10[%add3A_10, %dma_start3A] : memref<10016x128xf32, #tpu.memory_space<vmem_shared>> -> memref<128x128xf32, #tpu.memory_space<vmem_shared>>
      %dma_start3A_133 = arith.constant 0 : i32
      %dma_start3A_134 = tpu.memref_slice %arg10[%add3A_10, %dma_start3A_133] : memref<10016x128xf32, #tpu.memory_space<vmem_shared>> -> memref<128x128xf32, #tpu.memory_space<vmem_shared>>
      tpu.enqueue_dma source(%arg8 : memref<128x128xf32, #tpu.memory_space<vmem>>) target(%dma_start3A_134 : memref<128x128xf32, #tpu.memory_space<vmem_shared>>) target_semaphore(%run_scoped3A : memref<!tpu.dma_semaphore, #tpu.memory_space<semaphore_mem>>)
      %dma_wait3A = arith.constant 0 : i32
      %dma_wait3A_135 = tpu.memref_slice %arg10[%add3A_10, %dma_wait3A] : memref<10016x128xf32, #tpu.memory_space<vmem_shared>> -> memref<128x128xf32, #tpu.memory_space<vmem_shared>>
      %dma_wait3A_136 = arith.constant 0 : i32
      %dma_wait3A_137 = tpu.memref_slice %arg10[%add3A_10, %dma_wait3A_136] : memref<10016x128xf32, #tpu.memory_space<vmem_shared>> -> memref<128x128xf32, #tpu.memory_space<vmem_shared>>
      tpu.wait_dma2 semaphore(%run_scoped3A : memref<!tpu.dma_semaphore, #tpu.memory_space<semaphore_mem>>) src(%arg8 : memref<128x128xf32, #tpu.memory_space<vmem>>) dst(%dma_wait3A_137 : memref<128x128xf32, #tpu.memory_space<vmem_shared>>)
      tpu.yield
    }) : () -> ()
    %add3A_11 = arith.constant 128 : i32
    %add3A_12 = arith.addi %mul3A_8, %add3A_11 : i32
    "tpu.region"() ({
      %run_scoped3A = tpu.sem_alloc : memref<!tpu.dma_semaphore, #tpu.memory_space<semaphore_mem>>
      %dma_start3A = arith.constant 0 : i32
      %dma_start3A_132 = tpu.memref_slice %arg10[%add3A_12, %dma_start3A] : memref<10016x128xf32, #tpu.memory_space<vmem_shared>> -> memref<128x128xf32, #tpu.memory_space<vmem_shared>>
      %dma_start3A_133 = arith.constant 0 : i32
      %dma_start3A_134 = tpu.memref_slice %arg10[%add3A_12, %dma_start3A_133] : memref<10016x128xf32, #tpu.memory_space<vmem_shared>> -> memref<128x128xf32, #tpu.memory_space<vmem_shared>>
      tpu.enqueue_dma source(%arg8 : memref<128x128xf32, #tpu.memory_space<vmem>>) target(%dma_start3A_134 : memref<128x128xf32, #tpu.memory_space<vmem_shared>>) target_semaphore(%run_scoped3A : memref<!tpu.dma_semaphore, #tpu.memory_space<semaphore_mem>>)
      %dma_wait3A = arith.constant 0 : i32
      %dma_wait3A_135 = tpu.memref_slice %arg10[%add3A_12, %dma_wait3A] : memref<10016x128xf32, #tpu.memory_space<vmem_shared>> -> memref<128x128xf32, #tpu.memory_space<vmem_shared>>
      %dma_wait3A_136 = arith.constant 0 : i32
      %dma_wait3A_137 = tpu.memref_slice %arg10[%add3A_12, %dma_wait3A_136] : memref<10016x128xf32, #tpu.memory_space<vmem_shared>> -> memref<128x128xf32, #tpu.memory_space<vmem_shared>>
      tpu.wait_dma2 semaphore(%run_scoped3A : memref<!tpu.dma_semaphore, #tpu.memory_space<semaphore_mem>>) src(%arg8 : memref<128x128xf32, #tpu.memory_space<vmem>>) dst(%dma_wait3A_137 : memref<128x128xf32, #tpu.memory_space<vmem_shared>>)
      tpu.yield
    }) : () -> ()
    %add3A_13 = arith.constant 256 : i32
    %add3A_14 = arith.addi %mul3A_8, %add3A_13 : i32
    "tpu.region"() ({
      %run_scoped3A = tpu.sem_alloc : memref<!tpu.dma_semaphore, #tpu.memory_space<semaphore_mem>>
      %dma_start3A = arith.constant 0 : i32
      %dma_start3A_132 = tpu.memref_slice %arg10[%add3A_14, %dma_start3A] : memref<10016x128xf32, #tpu.memory_space<vmem_shared>> -> memref<128x128xf32, #tpu.memory_space<vmem_shared>>
      %dma_start3A_133 = arith.constant 0 : i32
      %dma_start3A_134 = tpu.memref_slice %arg10[%add3A_14, %dma_start3A_133] : memref<10016x128xf32, #tpu.memory_space<vmem_shared>> -> memref<128x128xf32, #tpu.memory_space<vmem_shared>>
      tpu.enqueue_dma source(%arg8 : memref<128x128xf32, #tpu.memory_space<vmem>>) target(%dma_start3A_134 : memref<128x128xf32, #tpu.memory_space<vmem_shared>>) target_semaphore(%run_scoped3A : memref<!tpu.dma_semaphore, #tpu.memory_space<semaphore_mem>>)
      %dma_wait3A = arith.constant 0 : i32
      %dma_wait3A_135 = tpu.memref_slice %arg10[%add3A_14, %dma_wait3A] : memref<10016x128xf32, #tpu.memory_space<vmem_shared>> -> memref<128x128xf32, #tpu.memory_space<vmem_shared>>
      %dma_wait3A_136 = arith.constant 0 : i32
      %dma_wait3A_137 = tpu.memref_slice %arg10[%add3A_14, %dma_wait3A_136] : memref<10016x128xf32, #tpu.memory_space<vmem_shared>> -> memref<128x128xf32, #tpu.memory_space<vmem_shared>>
      tpu.wait_dma2 semaphore(%run_scoped3A : memref<!tpu.dma_semaphore, #tpu.memory_space<semaphore_mem>>) src(%arg8 : memref<128x128xf32, #tpu.memory_space<vmem>>) dst(%dma_wait3A_137 : memref<128x128xf32, #tpu.memory_space<vmem_shared>>)
      tpu.yield
    }) : () -> ()
    %add3A_15 = arith.constant 384 : i32
    %add3A_16 = arith.addi %mul3A_8, %add3A_15 : i32
    "tpu.region"() ({
      %run_scoped3A = tpu.sem_alloc : memref<!tpu.dma_semaphore, #tpu.memory_space<semaphore_mem>>
      %dma_start3A = arith.constant 0 : i32
      %dma_start3A_132 = tpu.memref_slice %arg10[%add3A_16, %dma_start3A] : memref<10016x128xf32, #tpu.memory_space<vmem_shared>> -> memref<128x128xf32, #tpu.memory_space<vmem_shared>>
      %dma_start3A_133 = arith.constant 0 : i32
      %dma_start3A_134 = tpu.memref_slice %arg10[%add3A_16, %dma_start3A_133] : memref<10016x128xf32, #tpu.memory_space<vmem_shared>> -> memref<128x128xf32, #tpu.memory_space<vmem_shared>>
      tpu.enqueue_dma source(%arg8 : memref<128x128xf32, #tpu.memory_space<vmem>>) target(%dma_start3A_134 : memref<128x128xf32, #tpu.memory_space<vmem_shared>>) target_semaphore(%run_scoped3A : memref<!tpu.dma_semaphore, #tpu.memory_space<semaphore_mem>>)
      %dma_wait3A = arith.constant 0 : i32
      %dma_wait3A_135 = tpu.memref_slice %arg10[%add3A_16, %dma_wait3A] : memref<10016x128xf32, #tpu.memory_space<vmem_shared>> -> memref<128x128xf32, #tpu.memory_space<vmem_shared>>
      %dma_wait3A_136 = arith.constant 0 : i32
      %dma_wait3A_137 = tpu.memref_slice %arg10[%add3A_16, %dma_wait3A_136] : memref<10016x128xf32, #tpu.memory_space<vmem_shared>> -> memref<128x128xf32, #tpu.memory_space<vmem_shared>>
      tpu.wait_dma2 semaphore(%run_scoped3A : memref<!tpu.dma_semaphore, #tpu.memory_space<semaphore_mem>>) src(%arg8 : memref<128x128xf32, #tpu.memory_space<vmem>>) dst(%dma_wait3A_137 : memref<128x128xf32, #tpu.memory_space<vmem_shared>>)
      tpu.yield
    }) : () -> ()
    %add3A_17 = arith.constant 512 : i32
    %add3A_18 = arith.addi %mul3A_8, %add3A_17 : i32
    "tpu.region"() ({
      %run_scoped3A = tpu.sem_alloc : memref<!tpu.dma_semaphore, #tpu.memory_space<semaphore_mem>>
      %dma_start3A = arith.constant 0 : i32
      %dma_start3A_132 = arith.constant 0 : i32
      %dma_start3A_133 = tpu.memref_slice %arg8[%dma_start3A, %dma_start3A_132] : memref<128x128xf32, #tpu.memory_space<vmem>> -> memref<112x128xf32, #tpu.memory_space<vmem>>
      %dma_start3A_134 = arith.constant 0 : i32
      %dma_start3A_135 = tpu.memref_slice %arg10[%add3A_18, %dma_start3A_134] : memref<10016x128xf32, #tpu.memory_space<vmem_shared>> -> memref<112x128xf32, #tpu.memory_space<vmem_shared>>
      %dma_start3A_136 = arith.constant 0 : i32
      %dma_start3A_137 = tpu.memref_slice %arg10[%add3A_18, %dma_start3A_136] : memref<10016x128xf32, #tpu.memory_space<vmem_shared>> -> memref<112x128xf32, #tpu.memory_space<vmem_shared>>
      %dma_start3A_138 = arith.constant 0 : i32
      %dma_start3A_139 = arith.constant 0 : i32
      %dma_start3A_140 = tpu.memref_slice %arg8[%dma_start3A_138, %dma_start3A_139] : memref<128x128xf32, #tpu.memory_space<vmem>> -> memref<112x128xf32, #tpu.memory_space<vmem>>
      tpu.enqueue_dma source(%dma_start3A_140 : memref<112x128xf32, #tpu.memory_space<vmem>>) target(%dma_start3A_137 : memref<112x128xf32, #tpu.memory_space<vmem_shared>>) target_semaphore(%run_scoped3A : memref<!tpu.dma_semaphore, #tpu.memory_space<semaphore_mem>>)
      %dma_wait3A = arith.constant 0 : i32
      %dma_wait3A_141 = arith.constant 0 : i32
      %dma_wait3A_142 = tpu.memref_slice %arg8[%dma_wait3A, %dma_wait3A_141] : memref<128x128xf32, #tpu.memory_space<vmem>> -> memref<112x128xf32, #tpu.memory_space<vmem>>
      %dma_wait3A_143 = arith.constant 0 : i32
      %dma_wait3A_144 = tpu.memref_slice %arg10[%add3A_18, %dma_wait3A_143] : memref<10016x128xf32, #tpu.memory_space<vmem_shared>> -> memref<112x128xf32, #tpu.memory_space<vmem_shared>>
      %dma_wait3A_145 = arith.constant 0 : i32
      %dma_wait3A_146 = tpu.memref_slice %arg10[%add3A_18, %dma_wait3A_145] : memref<10016x128xf32, #tpu.memory_space<vmem_shared>> -> memref<112x128xf32, #tpu.memory_space<vmem_shared>>
      %dma_wait3A_147 = arith.constant 0 : i32
      %dma_wait3A_148 = arith.constant 0 : i32
      %dma_wait3A_149 = tpu.memref_slice %arg8[%dma_wait3A_147, %dma_wait3A_148] : memref<128x128xf32, #tpu.memory_space<vmem>> -> memref<112x128xf32, #tpu.memory_space<vmem>>
      tpu.wait_dma2 semaphore(%run_scoped3A : memref<!tpu.dma_semaphore, #tpu.memory_space<semaphore_mem>>) src(%dma_wait3A_149 : memref<112x128xf32, #tpu.memory_space<vmem>>) dst(%dma_wait3A_146 : memref<112x128xf32, #tpu.memory_space<vmem_shared>>)
      tpu.yield
    }) : () -> ()
    %eq3A = arith.constant 15 : i32
    %eq3A_19 = arith.cmpi eq, %arg1, %eq3A : i32
    %convert_element_type3A = arith.extui %eq3A_19 : i1 to i32
    %cond3A = arith.constant 0 : i32
    %cond3A_20 = arith.cmpi ne, %convert_element_type3A, %cond3A : i32
    scf.if %cond3A_20 {
      "tpu.region"() ({
        %run_scoped3A = tpu.sem_alloc : memref<!tpu.dma_semaphore, #tpu.memory_space<semaphore_mem>>
        %dma_start3A = arith.constant 0 : i32
        %dma_start3A_132 = arith.constant 0 : i32
        %dma_start3A_133 = tpu.memref_slice %arg8[%dma_start3A, %dma_start3A_132] : memref<128x128xf32, #tpu.memory_space<vmem>> -> memref<32x128xf32, #tpu.memory_space<vmem>>
        %dma_start3A_134 = arith.constant 9984 : i32
        %dma_start3A_135 = arith.constant 0 : i32
        %dma_start3A_136 = tpu.memref_slice %arg10[%dma_start3A_134, %dma_start3A_135] : memref<10016x128xf32, #tpu.memory_space<vmem_shared>> -> memref<32x128xf32, #tpu.memory_space<vmem_shared>>
        %dma_start3A_137 = arith.constant 9984 : i32
        %dma_start3A_138 = arith.constant 0 : i32
        %dma_start3A_139 = tpu.memref_slice %arg10[%dma_start3A_137, %dma_start3A_138] : memref<10016x128xf32, #tpu.memory_space<vmem_shared>> -> memref<32x128xf32, #tpu.memory_space<vmem_shared>>
        %dma_start3A_140 = arith.constant 0 : i32
        %dma_start3A_141 = arith.constant 0 : i32
        %dma_start3A_142 = tpu.memref_slice %arg8[%dma_start3A_140, %dma_start3A_141] : memref<128x128xf32, #tpu.memory_space<vmem>> -> memref<32x128xf32, #tpu.memory_space<vmem>>
        tpu.enqueue_dma source(%dma_start3A_142 : memref<32x128xf32, #tpu.memory_space<vmem>>) target(%dma_start3A_139 : memref<32x128xf32, #tpu.memory_space<vmem_shared>>) target_semaphore(%run_scoped3A : memref<!tpu.dma_semaphore, #tpu.memory_space<semaphore_mem>>)
        %dma_wait3A = arith.constant 0 : i32
        %dma_wait3A_143 = arith.constant 0 : i32
        %dma_wait3A_144 = tpu.memref_slice %arg8[%dma_wait3A, %dma_wait3A_143] : memref<128x128xf32, #tpu.memory_space<vmem>> -> memref<32x128xf32, #tpu.memory_space<vmem>>
        %dma_wait3A_145 = arith.constant 9984 : i32
        %dma_wait3A_146 = arith.constant 0 : i32
        %dma_wait3A_147 = tpu.memref_slice %arg10[%dma_wait3A_145, %dma_wait3A_146] : memref<10016x128xf32, #tpu.memory_space<vmem_shared>> -> memref<32x128xf32, #tpu.memory_space<vmem_shared>>
        %dma_wait3A_148 = arith.constant 9984 : i32
        %dma_wait3A_149 = arith.constant 0 : i32
        %dma_wait3A_150 = tpu.memref_slice %arg10[%dma_wait3A_148, %dma_wait3A_149] : memref<10016x128xf32, #tpu.memory_space<vmem_shared>> -> memref<32x128xf32, #tpu.memory_space<vmem_shared>>
        %dma_wait3A_151 = arith.constant 0 : i32
        %dma_wait3A_152 = arith.constant 0 : i32
        %dma_wait3A_153 = tpu.memref_slice %arg8[%dma_wait3A_151, %dma_wait3A_152] : memref<128x128xf32, #tpu.memory_space<vmem>> -> memref<32x128xf32, #tpu.memory_space<vmem>>
        tpu.wait_dma2 semaphore(%run_scoped3A : memref<!tpu.dma_semaphore, #tpu.memory_space<semaphore_mem>>) src(%dma_wait3A_153 : memref<32x128xf32, #tpu.memory_space<vmem>>) dst(%dma_wait3A_150 : memref<32x128xf32, #tpu.memory_space<vmem_shared>>)
        tpu.yield
      }) : () -> ()
    } else {
    }
    %barrier3A = arith.constant 0 : index
    tpu.barrier barrier_id(%barrier3A)
    %eq3A_21 = arith.constant 0 : i32
    %eq3A_22 = arith.cmpi eq, %arg0, %eq3A_21 : i32
    %select_n3A = arith.constant 40 : i32
    %select_n3A_23 = arith.constant 120 : i32
    %select_n3A_24 = arith.select %eq3A_22, %select_n3A_23, %select_n3A : i32
    %mul3A_25 = arith.constant 120 : i32
    %mul3A_26 = arith.muli %add3A, %mul3A_25 : i32
    %add3A_27 = arith.constant 0 : i32
    %add3A_28 = arith.addi %mul3A_26, %add3A_27 : i32
    "tpu.region"() ({
      %run_scoped3A = tpu.sem_alloc : memref<!tpu.dma_semaphore, #tpu.memory_space<semaphore_mem>>
      %dma_start3A = arith.constant 0 : i32
      %dma_start3A_132 = tpu.memref_slice %arg3[%add3A_28, %dma_start3A] : memref<3872x128xi32, #tpu.memory_space<hbm>> -> memref<64x128xi32, #tpu.memory_space<hbm>>
      %dma_start3A_133 = arith.constant 0 : i32
      %dma_start3A_134 = tpu.memref_slice %arg3[%add3A_28, %dma_start3A_133] : memref<3872x128xi32, #tpu.memory_space<hbm>> -> memref<64x128xi32, #tpu.memory_space<hbm>>
      tpu.enqueue_dma source(%dma_start3A_134 : memref<64x128xi32, #tpu.memory_space<hbm>>) target(%arg6 : memref<64x128xi32, #tpu.memory_space<vmem>>) target_semaphore(%run_scoped3A : memref<!tpu.dma_semaphore, #tpu.memory_space<semaphore_mem>>)
      %dma_wait3A = arith.constant 0 : i32
      %dma_wait3A_135 = tpu.memref_slice %arg3[%add3A_28, %dma_wait3A] : memref<3872x128xi32, #tpu.memory_space<hbm>> -> memref<64x128xi32, #tpu.memory_space<hbm>>
      %dma_wait3A_136 = arith.constant 0 : i32
      %dma_wait3A_137 = tpu.memref_slice %arg3[%add3A_28, %dma_wait3A_136] : memref<3872x128xi32, #tpu.memory_space<hbm>> -> memref<64x128xi32, #tpu.memory_space<hbm>>
      tpu.wait_dma2 semaphore(%run_scoped3A : memref<!tpu.dma_semaphore, #tpu.memory_space<semaphore_mem>>) src(%dma_wait3A_137 : memref<64x128xi32, #tpu.memory_space<hbm>>) dst(%arg6 : memref<64x128xi32, #tpu.memory_space<vmem>>)
      tpu.yield
    }) : () -> ()
    "tpu.region"() ({
      %run_scoped3A = tpu.sem_alloc : memref<!tpu.dma_semaphore, #tpu.memory_space<semaphore_mem>>
      %dma_start3A = arith.constant 0 : i32
      %dma_start3A_132 = tpu.memref_slice %arg4[%add3A_28, %dma_start3A] : memref<3872x128xi32, #tpu.memory_space<hbm>> -> memref<64x128xi32, #tpu.memory_space<hbm>>
      %dma_start3A_133 = arith.constant 0 : i32
      %dma_start3A_134 = tpu.memref_slice %arg4[%add3A_28, %dma_start3A_133] : memref<3872x128xi32, #tpu.memory_space<hbm>> -> memref<64x128xi32, #tpu.memory_space<hbm>>
      tpu.enqueue_dma source(%dma_start3A_134 : memref<64x128xi32, #tpu.memory_space<hbm>>) target(%arg7 : memref<64x128xi32, #tpu.memory_space<vmem>>) target_semaphore(%run_scoped3A : memref<!tpu.dma_semaphore, #tpu.memory_space<semaphore_mem>>)
      %dma_wait3A = arith.constant 0 : i32
      %dma_wait3A_135 = tpu.memref_slice %arg4[%add3A_28, %dma_wait3A] : memref<3872x128xi32, #tpu.memory_space<hbm>> -> memref<64x128xi32, #tpu.memory_space<hbm>>
      %dma_wait3A_136 = arith.constant 0 : i32
      %dma_wait3A_137 = tpu.memref_slice %arg4[%add3A_28, %dma_wait3A_136] : memref<3872x128xi32, #tpu.memory_space<hbm>> -> memref<64x128xi32, #tpu.memory_space<hbm>>
      tpu.wait_dma2 semaphore(%run_scoped3A : memref<!tpu.dma_semaphore, #tpu.memory_space<semaphore_mem>>) src(%dma_wait3A_137 : memref<64x128xi32, #tpu.memory_space<hbm>>) dst(%arg7 : memref<64x128xi32, #tpu.memory_space<vmem>>)
      tpu.yield
    }) : () -> ()
    %sub3A = arith.constant 0 : i32
    %sub3A_29 = arith.subi %select_n3A_24, %sub3A : i32
    %jit3A = arith.constant 0 : i32
    %jit3A_30 = arith.constant 64 : i32
    %max3A = arith.maxsi %jit3A, %sub3A_29 : i32
    %min3A = arith.minsi %jit3A_30, %max3A : i32
    %gt3A = arith.constant 0 : i32
    %gt3A_31 = arith.cmpi sgt, %min3A, %gt3A : i32
    %convert_element_type3A_32 = arith.extui %gt3A_31 : i1 to i32
    %cond3A_33 = arith.constant 0 : i32
    %cond3A_34 = arith.cmpi ne, %convert_element_type3A_32, %cond3A_33 : i32
    scf.if %cond3A_34 {
      %dma_start3A = arith.constant 0 : i32
      %dma_start3A_132 = arith.constant 0 : i32
      %dma_start3A_133 = tpu.memref_slice %arg6[%dma_start3A, %dma_start3A_132] : memref<64x128xi32, #tpu.memory_space<vmem>> -> memref<1x128xi32, #tpu.memory_space<vmem>>
      %dma_start3A_134 = tpu.memref_squeeze %dma_start3A_133 : memref<1x128xi32, #tpu.memory_space<vmem>> -> memref<128xi32, #tpu.memory_space<vmem>>
      %dma_start3A_135 = arith.constant 0 : i32
      %dma_start3A_136 = arith.constant 0 : i32
      %dma_start3A_137 = tpu.memref_slice %arg2[%dma_start3A_135, %dma_start3A_136] : memref<10000x128xf32, #tpu.memory_space<hbm>> -> memref<10000x128xf32, #tpu.memory_space<hbm>>
      tpu.enqueue_indirect_dma source(%dma_start3A_137 : memref<10000x128xf32, #tpu.memory_space<hbm>>) target(%arg8 : memref<128x128xf32, #tpu.memory_space<vmem>>) offsets(%dma_start3A_134 : memref<128xi32, #tpu.memory_space<vmem>>) semaphore(%arg11 : memref<!tpu.dma_semaphore, #tpu.memory_space<semaphore_mem>>)
    } else {
    }
    %jit3A_35 = arith.constant 2 : i32
    %div3A = arith.divsi %min3A, %jit3A_35 : i32
    %sign3A = arith.constant 0 : i32
    %sign3A_36 = arith.cmpi sgt, %min3A, %sign3A : i32
    %sign3A_37 = arith.extui %sign3A_36 : i1 to i32
    %sign3A_38 = arith.constant 0 : i32
    %sign3A_39 = arith.cmpi slt, %min3A, %sign3A_38 : i32
    %sign3A_40 = arith.extui %sign3A_39 : i1 to i32
    %sign3A_41 = arith.subi %sign3A_37, %sign3A_40 : i32
    %sign3A_42 = arith.constant 0 : i32
    %sign3A_43 = arith.cmpi sgt, %jit3A_35, %sign3A_42 : i32
    %sign3A_44 = arith.extui %sign3A_43 : i1 to i32
    %sign3A_45 = arith.constant 0 : i32
    %sign3A_46 = arith.cmpi slt, %jit3A_35, %sign3A_45 : i32
    %sign3A_47 = arith.extui %sign3A_46 : i1 to i32
    %sign3A_48 = arith.subi %sign3A_44, %sign3A_47 : i32
    %ne3A = arith.cmpi ne, %sign3A_41, %sign3A_48 : i32
    %rem3A = arith.remsi %min3A, %jit3A_35 : i32
    %ne3A_49 = arith.constant 0 : i32
    %ne3A_50 = arith.cmpi ne, %rem3A, %ne3A_49 : i32
    %and3A = arith.andi %ne3A, %ne3A_50 : i1
    %sub3A_51 = arith.constant 1 : i32
    %sub3A_52 = arith.subi %div3A, %sub3A_51 : i32
    %select_n3A_53 = arith.select %and3A, %sub3A_52, %div3A : i32
    %while3A = arith.constant 0 : i32
    %while3A_54 = arith.constant 0 : i32
    %while3A_55 = arith.subi %select_n3A_53, %while3A : i32
    %while3A_56 = arith.addi %while3A, %while3A_55 : i32
    %while3A_57 = arith.constant 1 : i32
    %while3A_58 = arith.divsi %while3A_55, %while3A_57 : i32
    %while3A_59 = arith.muli %while3A_58, %while3A_57 : i32
    %while3A_60 = arith.addi %while3A, %while3A_59 : i32
    %while3A_61 = arith.constant 1 : i32
    %while3A_62 = scf.for %while3A_132 = %while3A to %while3A_60 step %while3A_61 iter_args(%while3A_133 = %while3A_54) -> (i32)  : i32 {
      %mul3A_134 = arith.constant 2 : i32
      %mul3A_135 = arith.muli %mul3A_134, %while3A_132 : i32
      %add3A_136 = arith.constant 1 : i32
      %add3A_137 = arith.addi %mul3A_135, %add3A_136 : i32
      %dma_start3A = arith.constant 0 : i32
      %dma_start3A_138 = tpu.memref_slice %arg6[%add3A_137, %dma_start3A] : memref<64x128xi32, #tpu.memory_space<vmem>> -> memref<1x128xi32, #tpu.memory_space<vmem>>
      %dma_start3A_139 = tpu.memref_squeeze %dma_start3A_138 : memref<1x128xi32, #tpu.memory_space<vmem>> -> memref<128xi32, #tpu.memory_space<vmem>>
      %dma_start3A_140 = arith.constant 0 : i32
      %dma_start3A_141 = arith.constant 0 : i32
      %dma_start3A_142 = tpu.memref_slice %arg2[%dma_start3A_140, %dma_start3A_141] : memref<10000x128xf32, #tpu.memory_space<hbm>> -> memref<10000x128xf32, #tpu.memory_space<hbm>>
      tpu.enqueue_indirect_dma source(%dma_start3A_142 : memref<10000x128xf32, #tpu.memory_space<hbm>>) target(%arg9 : memref<128x128xf32, #tpu.memory_space<vmem>>) offsets(%dma_start3A_139 : memref<128xi32, #tpu.memory_space<vmem>>) semaphore(%arg12 : memref<!tpu.dma_semaphore, #tpu.memory_space<semaphore_mem>>)
      %dma_wait3A = arith.constant 0 : i32
      %dma_wait3A_143 = arith.constant 0 : i32
      %dma_wait3A_144 = tpu.memref_slice %arg6[%dma_wait3A, %dma_wait3A_143] : memref<64x128xi32, #tpu.memory_space<vmem>> -> memref<1x128xi32, #tpu.memory_space<vmem>>
      %dma_wait3A_145 = tpu.memref_squeeze %dma_wait3A_144 : memref<1x128xi32, #tpu.memory_space<vmem>> -> memref<128xi32, #tpu.memory_space<vmem>>
      %dma_wait3A_146 = arith.constant 0 : i32
      %dma_wait3A_147 = arith.constant 0 : i32
      %dma_wait3A_148 = tpu.memref_slice %arg2[%dma_wait3A_146, %dma_wait3A_147] : memref<10000x128xf32, #tpu.memory_space<hbm>> -> memref<10000x128xf32, #tpu.memory_space<hbm>>
      tpu.wait_indirect_dma semaphore(%arg11 : memref<!tpu.dma_semaphore, #tpu.memory_space<semaphore_mem>>) src(%dma_wait3A_148 : memref<10000x128xf32, #tpu.memory_space<hbm>>) dst(%arg8 : memref<128x128xf32, #tpu.memory_space<vmem>>)
      "tpu.region"() ({
        %run_scoped3A = tpu.sem_alloc : memref<!tpu.dma_semaphore, #tpu.memory_space<semaphore_mem>>
        %dma_start3A_168 = arith.constant 0 : i32
        %dma_start3A_169 = tpu.memref_slice %arg7[%mul3A_135, %dma_start3A_168] : memref<64x128xi32, #tpu.memory_space<vmem>> -> memref<1x128xi32, #tpu.memory_space<vmem>>
        %dma_start3A_170 = tpu.memref_squeeze %dma_start3A_169 : memref<1x128xi32, #tpu.memory_space<vmem>> -> memref<128xi32, #tpu.memory_space<vmem>>
        %dma_start3A_171 = arith.constant 0 : i32
        %dma_start3A_172 = arith.constant 0 : i32
        %dma_start3A_173 = tpu.memref_slice %arg10[%dma_start3A_171, %dma_start3A_172] : memref<10016x128xf32, #tpu.memory_space<vmem_shared>> -> memref<10016x128xf32, #tpu.memory_space<vmem_shared>>
        tpu.enqueue_indirect_dma source(%arg8 : memref<128x128xf32, #tpu.memory_space<vmem>>) target(%dma_start3A_173 : memref<10016x128xf32, #tpu.memory_space<vmem_shared>>) offsets(%dma_start3A_170 : memref<128xi32, #tpu.memory_space<vmem>>) semaphore(%run_scoped3A : memref<!tpu.dma_semaphore, #tpu.memory_space<semaphore_mem>>) {add = true}
        %dma_wait3A_174 = arith.constant 0 : i32
        %dma_wait3A_175 = tpu.memref_slice %arg7[%mul3A_135, %dma_wait3A_174] : memref<64x128xi32, #tpu.memory_space<vmem>> -> memref<1x128xi32, #tpu.memory_space<vmem>>
        %dma_wait3A_176 = tpu.memref_squeeze %dma_wait3A_175 : memref<1x128xi32, #tpu.memory_space<vmem>> -> memref<128xi32, #tpu.memory_space<vmem>>
        %dma_wait3A_177 = arith.constant 0 : i32
        %dma_wait3A_178 = arith.constant 0 : i32
        %dma_wait3A_179 = tpu.memref_slice %arg10[%dma_wait3A_177, %dma_wait3A_178] : memref<10016x128xf32, #tpu.memory_space<vmem_shared>> -> memref<10016x128xf32, #tpu.memory_space<vmem_shared>>
        tpu.wait_indirect_dma semaphore(%run_scoped3A : memref<!tpu.dma_semaphore, #tpu.memory_space<semaphore_mem>>) src(%arg8 : memref<128x128xf32, #tpu.memory_space<vmem>>) dst(%dma_wait3A_179 : memref<10016x128xf32, #tpu.memory_space<vmem_shared>>)
        tpu.yield
      }) : () -> ()
      %add3A_149 = arith.constant 2 : i32
      %add3A_150 = arith.addi %mul3A_135, %add3A_149 : i32
      %sub3A_151 = arith.constant 1 : i32
      %sub3A_152 = arith.subi %min3A, %sub3A_151 : i32
      %min3A_153 = arith.minsi %add3A_150, %sub3A_152 : i32
      %dma_start3A_154 = arith.constant 0 : i32
      %dma_start3A_155 = tpu.memref_slice %arg6[%min3A_153, %dma_start3A_154] : memref<64x128xi32, #tpu.memory_space<vmem>> -> memref<1x128xi32, #tpu.memory_space<vmem>>
      %dma_start3A_156 = tpu.memref_squeeze %dma_start3A_155 : memref<1x128xi32, #tpu.memory_space<vmem>> -> memref<128xi32, #tpu.memory_space<vmem>>
      %dma_start3A_157 = arith.constant 0 : i32
      %dma_start3A_158 = arith.constant 0 : i32
      %dma_start3A_159 = tpu.memref_slice %arg2[%dma_start3A_157, %dma_start3A_158] : memref<10000x128xf32, #tpu.memory_space<hbm>> -> memref<10000x128xf32, #tpu.memory_space<hbm>>
      tpu.enqueue_indirect_dma source(%dma_start3A_159 : memref<10000x128xf32, #tpu.memory_space<hbm>>) target(%arg8 : memref<128x128xf32, #tpu.memory_space<vmem>>) offsets(%dma_start3A_156 : memref<128xi32, #tpu.memory_space<vmem>>) semaphore(%arg11 : memref<!tpu.dma_semaphore, #tpu.memory_space<semaphore_mem>>)
      %dma_wait3A_160 = arith.constant 0 : i32
      %dma_wait3A_161 = arith.constant 0 : i32
      %dma_wait3A_162 = tpu.memref_slice %arg6[%dma_wait3A_160, %dma_wait3A_161] : memref<64x128xi32, #tpu.memory_space<vmem>> -> memref<1x128xi32, #tpu.memory_space<vmem>>
      %dma_wait3A_163 = tpu.memref_squeeze %dma_wait3A_162 : memref<1x128xi32, #tpu.memory_space<vmem>> -> memref<128xi32, #tpu.memory_space<vmem>>
      %dma_wait3A_164 = arith.constant 0 : i32
      %dma_wait3A_165 = arith.constant 0 : i32
      %dma_wait3A_166 = tpu.memref_slice %arg2[%dma_wait3A_164, %dma_wait3A_165] : memref<10000x128xf32, #tpu.memory_space<hbm>> -> memref<10000x128xf32, #tpu.memory_space<hbm>>
      tpu.wait_indirect_dma semaphore(%arg12 : memref<!tpu.dma_semaphore, #tpu.memory_space<semaphore_mem>>) src(%dma_wait3A_166 : memref<10000x128xf32, #tpu.memory_space<hbm>>) dst(%arg9 : memref<128x128xf32, #tpu.memory_space<vmem>>)
      "tpu.region"() ({
        %run_scoped3A = tpu.sem_alloc : memref<!tpu.dma_semaphore, #tpu.memory_space<semaphore_mem>>
        %dma_start3A_168 = arith.constant 0 : i32
        %dma_start3A_169 = tpu.memref_slice %arg7[%add3A_137, %dma_start3A_168] : memref<64x128xi32, #tpu.memory_space<vmem>> -> memref<1x128xi32, #tpu.memory_space<vmem>>
        %dma_start3A_170 = tpu.memref_squeeze %dma_start3A_169 : memref<1x128xi32, #tpu.memory_space<vmem>> -> memref<128xi32, #tpu.memory_space<vmem>>
        %dma_start3A_171 = arith.constant 0 : i32
        %dma_start3A_172 = arith.constant 0 : i32
        %dma_start3A_173 = tpu.memref_slice %arg10[%dma_start3A_171, %dma_start3A_172] : memref<10016x128xf32, #tpu.memory_space<vmem_shared>> -> memref<10016x128xf32, #tpu.memory_space<vmem_shared>>
        tpu.enqueue_indirect_dma source(%arg9 : memref<128x128xf32, #tpu.memory_space<vmem>>) target(%dma_start3A_173 : memref<10016x128xf32, #tpu.memory_space<vmem_shared>>) offsets(%dma_start3A_170 : memref<128xi32, #tpu.memory_space<vmem>>) semaphore(%run_scoped3A : memref<!tpu.dma_semaphore, #tpu.memory_space<semaphore_mem>>) {add = true}
        %dma_wait3A_174 = arith.constant 0 : i32
        %dma_wait3A_175 = tpu.memref_slice %arg7[%add3A_137, %dma_wait3A_174] : memref<64x128xi32, #tpu.memory_space<vmem>> -> memref<1x128xi32, #tpu.memory_space<vmem>>
        %dma_wait3A_176 = tpu.memref_squeeze %dma_wait3A_175 : memref<1x128xi32, #tpu.memory_space<vmem>> -> memref<128xi32, #tpu.memory_space<vmem>>
        %dma_wait3A_177 = arith.constant 0 : i32
        %dma_wait3A_178 = arith.constant 0 : i32
        %dma_wait3A_179 = tpu.memref_slice %arg10[%dma_wait3A_177, %dma_wait3A_178] : memref<10016x128xf32, #tpu.memory_space<vmem_shared>> -> memref<10016x128xf32, #tpu.memory_space<vmem_shared>>
        tpu.wait_indirect_dma semaphore(%run_scoped3A : memref<!tpu.dma_semaphore, #tpu.memory_space<semaphore_mem>>) src(%arg9 : memref<128x128xf32, #tpu.memory_space<vmem>>) dst(%dma_wait3A_179 : memref<10016x128xf32, #tpu.memory_space<vmem_shared>>)
        tpu.yield
      }) : () -> ()
      %while3A_167 = arith.constant 0 : i32
      scf.yield %while3A_167 : i32
    }
    %while3A_63 = arith.constant 1 : i32
    %while3A_64 = scf.for %while3A_132 = %while3A_60 to %while3A_56 step %while3A_63 iter_args(%while3A_133 = %while3A_62) -> (i32)  : i32 {
      %mul3A_134 = arith.constant 2 : i32
      %mul3A_135 = arith.muli %mul3A_134, %while3A_132 : i32
      %add3A_136 = arith.constant 1 : i32
      %add3A_137 = arith.addi %mul3A_135, %add3A_136 : i32
      %dma_start3A = arith.constant 0 : i32
      %dma_start3A_138 = tpu.memref_slice %arg6[%add3A_137, %dma_start3A] : memref<64x128xi32, #tpu.memory_space<vmem>> -> memref<1x128xi32, #tpu.memory_space<vmem>>
      %dma_start3A_139 = tpu.memref_squeeze %dma_start3A_138 : memref<1x128xi32, #tpu.memory_space<vmem>> -> memref<128xi32, #tpu.memory_space<vmem>>
      %dma_start3A_140 = arith.constant 0 : i32
      %dma_start3A_141 = arith.constant 0 : i32
      %dma_start3A_142 = tpu.memref_slice %arg2[%dma_start3A_140, %dma_start3A_141] : memref<10000x128xf32, #tpu.memory_space<hbm>> -> memref<10000x128xf32, #tpu.memory_space<hbm>>
      tpu.enqueue_indirect_dma source(%dma_start3A_142 : memref<10000x128xf32, #tpu.memory_space<hbm>>) target(%arg9 : memref<128x128xf32, #tpu.memory_space<vmem>>) offsets(%dma_start3A_139 : memref<128xi32, #tpu.memory_space<vmem>>) semaphore(%arg12 : memref<!tpu.dma_semaphore, #tpu.memory_space<semaphore_mem>>)
      %dma_wait3A = arith.constant 0 : i32
      %dma_wait3A_143 = arith.constant 0 : i32
      %dma_wait3A_144 = tpu.memref_slice %arg6[%dma_wait3A, %dma_wait3A_143] : memref<64x128xi32, #tpu.memory_space<vmem>> -> memref<1x128xi32, #tpu.memory_space<vmem>>
      %dma_wait3A_145 = tpu.memref_squeeze %dma_wait3A_144 : memref<1x128xi32, #tpu.memory_space<vmem>> -> memref<128xi32, #tpu.memory_space<vmem>>
      %dma_wait3A_146 = arith.constant 0 : i32
      %dma_wait3A_147 = arith.constant 0 : i32
      %dma_wait3A_148 = tpu.memref_slice %arg2[%dma_wait3A_146, %dma_wait3A_147] : memref<10000x128xf32, #tpu.memory_space<hbm>> -> memref<10000x128xf32, #tpu.memory_space<hbm>>
      tpu.wait_indirect_dma semaphore(%arg11 : memref<!tpu.dma_semaphore, #tpu.memory_space<semaphore_mem>>) src(%dma_wait3A_148 : memref<10000x128xf32, #tpu.memory_space<hbm>>) dst(%arg8 : memref<128x128xf32, #tpu.memory_space<vmem>>)
      "tpu.region"() ({
        %run_scoped3A = tpu.sem_alloc : memref<!tpu.dma_semaphore, #tpu.memory_space<semaphore_mem>>
        %dma_start3A_168 = arith.constant 0 : i32
        %dma_start3A_169 = tpu.memref_slice %arg7[%mul3A_135, %dma_start3A_168] : memref<64x128xi32, #tpu.memory_space<vmem>> -> memref<1x128xi32, #tpu.memory_space<vmem>>
        %dma_start3A_170 = tpu.memref_squeeze %dma_start3A_169 : memref<1x128xi32, #tpu.memory_space<vmem>> -> memref<128xi32, #tpu.memory_space<vmem>>
        %dma_start3A_171 = arith.constant 0 : i32
        %dma_start3A_172 = arith.constant 0 : i32
        %dma_start3A_173 = tpu.memref_slice %arg10[%dma_start3A_171, %dma_start3A_172] : memref<10016x128xf32, #tpu.memory_space<vmem_shared>> -> memref<10016x128xf32, #tpu.memory_space<vmem_shared>>
        tpu.enqueue_indirect_dma source(%arg8 : memref<128x128xf32, #tpu.memory_space<vmem>>) target(%dma_start3A_173 : memref<10016x128xf32, #tpu.memory_space<vmem_shared>>) offsets(%dma_start3A_170 : memref<128xi32, #tpu.memory_space<vmem>>) semaphore(%run_scoped3A : memref<!tpu.dma_semaphore, #tpu.memory_space<semaphore_mem>>) {add = true}
        %dma_wait3A_174 = arith.constant 0 : i32
        %dma_wait3A_175 = tpu.memref_slice %arg7[%mul3A_135, %dma_wait3A_174] : memref<64x128xi32, #tpu.memory_space<vmem>> -> memref<1x128xi32, #tpu.memory_space<vmem>>
        %dma_wait3A_176 = tpu.memref_squeeze %dma_wait3A_175 : memref<1x128xi32, #tpu.memory_space<vmem>> -> memref<128xi32, #tpu.memory_space<vmem>>
        %dma_wait3A_177 = arith.constant 0 : i32
        %dma_wait3A_178 = arith.constant 0 : i32
        %dma_wait3A_179 = tpu.memref_slice %arg10[%dma_wait3A_177, %dma_wait3A_178] : memref<10016x128xf32, #tpu.memory_space<vmem_shared>> -> memref<10016x128xf32, #tpu.memory_space<vmem_shared>>
        tpu.wait_indirect_dma semaphore(%run_scoped3A : memref<!tpu.dma_semaphore, #tpu.memory_space<semaphore_mem>>) src(%arg8 : memref<128x128xf32, #tpu.memory_space<vmem>>) dst(%dma_wait3A_179 : memref<10016x128xf32, #tpu.memory_space<vmem_shared>>)
        tpu.yield
      }) : () -> ()
      %add3A_149 = arith.constant 2 : i32
      %add3A_150 = arith.addi %mul3A_135, %add3A_149 : i32
      %sub3A_151 = arith.constant 1 : i32
      %sub3A_152 = arith.subi %min3A, %sub3A_151 : i32
      %min3A_153 = arith.minsi %add3A_150, %sub3A_152 : i32
      %dma_start3A_154 = arith.constant 0 : i32
      %dma_start3A_155 = tpu.memref_slice %arg6[%min3A_153, %dma_start3A_154] : memref<64x128xi32, #tpu.memory_space<vmem>> -> memref<1x128xi32, #tpu.memory_space<vmem>>
      %dma_start3A_156 = tpu.memref_squeeze %dma_start3A_155 : memref<1x128xi32, #tpu.memory_space<vmem>> -> memref<128xi32, #tpu.memory_space<vmem>>
      %dma_start3A_157 = arith.constant 0 : i32
      %dma_start3A_158 = arith.constant 0 : i32
      %dma_start3A_159 = tpu.memref_slice %arg2[%dma_start3A_157, %dma_start3A_158] : memref<10000x128xf32, #tpu.memory_space<hbm>> -> memref<10000x128xf32, #tpu.memory_space<hbm>>
      tpu.enqueue_indirect_dma source(%dma_start3A_159 : memref<10000x128xf32, #tpu.memory_space<hbm>>) target(%arg8 : memref<128x128xf32, #tpu.memory_space<vmem>>) offsets(%dma_start3A_156 : memref<128xi32, #tpu.memory_space<vmem>>) semaphore(%arg11 : memref<!tpu.dma_semaphore, #tpu.memory_space<semaphore_mem>>)
      %dma_wait3A_160 = arith.constant 0 : i32
      %dma_wait3A_161 = arith.constant 0 : i32
      %dma_wait3A_162 = tpu.memref_slice %arg6[%dma_wait3A_160, %dma_wait3A_161] : memref<64x128xi32, #tpu.memory_space<vmem>> -> memref<1x128xi32, #tpu.memory_space<vmem>>
      %dma_wait3A_163 = tpu.memref_squeeze %dma_wait3A_162 : memref<1x128xi32, #tpu.memory_space<vmem>> -> memref<128xi32, #tpu.memory_space<vmem>>
      %dma_wait3A_164 = arith.constant 0 : i32
      %dma_wait3A_165 = arith.constant 0 : i32
      %dma_wait3A_166 = tpu.memref_slice %arg2[%dma_wait3A_164, %dma_wait3A_165] : memref<10000x128xf32, #tpu.memory_space<hbm>> -> memref<10000x128xf32, #tpu.memory_space<hbm>>
      tpu.wait_indirect_dma semaphore(%arg12 : memref<!tpu.dma_semaphore, #tpu.memory_space<semaphore_mem>>) src(%dma_wait3A_166 : memref<10000x128xf32, #tpu.memory_space<hbm>>) dst(%arg9 : memref<128x128xf32, #tpu.memory_space<vmem>>)
      "tpu.region"() ({
        %run_scoped3A = tpu.sem_alloc : memref<!tpu.dma_semaphore, #tpu.memory_space<semaphore_mem>>
        %dma_start3A_168 = arith.constant 0 : i32
        %dma_start3A_169 = tpu.memref_slice %arg7[%add3A_137, %dma_start3A_168] : memref<64x128xi32, #tpu.memory_space<vmem>> -> memref<1x128xi32, #tpu.memory_space<vmem>>
        %dma_start3A_170 = tpu.memref_squeeze %dma_start3A_169 : memref<1x128xi32, #tpu.memory_space<vmem>> -> memref<128xi32, #tpu.memory_space<vmem>>
        %dma_start3A_171 = arith.constant 0 : i32
        %dma_start3A_172 = arith.constant 0 : i32
        %dma_start3A_173 = tpu.memref_slice %arg10[%dma_start3A_171, %dma_start3A_172] : memref<10016x128xf32, #tpu.memory_space<vmem_shared>> -> memref<10016x128xf32, #tpu.memory_space<vmem_shared>>
        tpu.enqueue_indirect_dma source(%arg9 : memref<128x128xf32, #tpu.memory_space<vmem>>) target(%dma_start3A_173 : memref<10016x128xf32, #tpu.memory_space<vmem_shared>>) offsets(%dma_start3A_170 : memref<128xi32, #tpu.memory_space<vmem>>) semaphore(%run_scoped3A : memref<!tpu.dma_semaphore, #tpu.memory_space<semaphore_mem>>) {add = true}
        %dma_wait3A_174 = arith.constant 0 : i32
        %dma_wait3A_175 = tpu.memref_slice %arg7[%add3A_137, %dma_wait3A_174] : memref<64x128xi32, #tpu.memory_space<vmem>> -> memref<1x128xi32, #tpu.memory_space<vmem>>
        %dma_wait3A_176 = tpu.memref_squeeze %dma_wait3A_175 : memref<1x128xi32, #tpu.memory_space<vmem>> -> memref<128xi32, #tpu.memory_space<vmem>>
        %dma_wait3A_177 = arith.constant 0 : i32
        %dma_wait3A_178 = arith.constant 0 : i32
        %dma_wait3A_179 = tpu.memref_slice %arg10[%dma_wait3A_177, %dma_wait3A_178] : memref<10016x128xf32, #tpu.memory_space<vmem_shared>> -> memref<10016x128xf32, #tpu.memory_space<vmem_shared>>
        tpu.wait_indirect_dma semaphore(%run_scoped3A : memref<!tpu.dma_semaphore, #tpu.memory_space<semaphore_mem>>) src(%arg9 : memref<128x128xf32, #tpu.memory_space<vmem>>) dst(%dma_wait3A_179 : memref<10016x128xf32, #tpu.memory_space<vmem_shared>>)
        tpu.yield
      }) : () -> ()
      %while3A_167 = arith.constant 0 : i32
      scf.yield %while3A_167 : i32
    }
    %gt3A_65 = arith.constant 0 : i32
    %gt3A_66 = arith.cmpi sgt, %min3A, %gt3A_65 : i32
    %convert_element_type3A_67 = arith.extui %gt3A_66 : i1 to i32
    %cond3A_68 = arith.constant 0 : i32
    %cond3A_69 = arith.cmpi ne, %convert_element_type3A_67, %cond3A_68 : i32
    scf.if %cond3A_69 {
      %dma_wait3A = arith.constant 0 : i32
      %dma_wait3A_132 = arith.constant 0 : i32
      %dma_wait3A_133 = tpu.memref_slice %arg6[%dma_wait3A, %dma_wait3A_132] : memref<64x128xi32, #tpu.memory_space<vmem>> -> memref<1x128xi32, #tpu.memory_space<vmem>>
      %dma_wait3A_134 = tpu.memref_squeeze %dma_wait3A_133 : memref<1x128xi32, #tpu.memory_space<vmem>> -> memref<128xi32, #tpu.memory_space<vmem>>
      %dma_wait3A_135 = arith.constant 0 : i32
      %dma_wait3A_136 = arith.constant 0 : i32
      %dma_wait3A_137 = tpu.memref_slice %arg2[%dma_wait3A_135, %dma_wait3A_136] : memref<10000x128xf32, #tpu.memory_space<hbm>> -> memref<10000x128xf32, #tpu.memory_space<hbm>>
      tpu.wait_indirect_dma semaphore(%arg11 : memref<!tpu.dma_semaphore, #tpu.memory_space<semaphore_mem>>) src(%dma_wait3A_137 : memref<10000x128xf32, #tpu.memory_space<hbm>>) dst(%arg8 : memref<128x128xf32, #tpu.memory_space<vmem>>)
    } else {
    }
    %mul3A_70 = arith.constant 120 : i32
    %mul3A_71 = arith.muli %add3A, %mul3A_70 : i32
    %add3A_72 = arith.constant 64 : i32
    %add3A_73 = arith.addi %mul3A_71, %add3A_72 : i32
    "tpu.region"() ({
      %run_scoped3A = tpu.sem_alloc : memref<!tpu.dma_semaphore, #tpu.memory_space<semaphore_mem>>
      %dma_start3A = arith.constant 0 : i32
      %dma_start3A_132 = tpu.memref_slice %arg3[%add3A_73, %dma_start3A] : memref<3872x128xi32, #tpu.memory_space<hbm>> -> memref<64x128xi32, #tpu.memory_space<hbm>>
      %dma_start3A_133 = arith.constant 0 : i32
      %dma_start3A_134 = tpu.memref_slice %arg3[%add3A_73, %dma_start3A_133] : memref<3872x128xi32, #tpu.memory_space<hbm>> -> memref<64x128xi32, #tpu.memory_space<hbm>>
      tpu.enqueue_dma source(%dma_start3A_134 : memref<64x128xi32, #tpu.memory_space<hbm>>) target(%arg6 : memref<64x128xi32, #tpu.memory_space<vmem>>) target_semaphore(%run_scoped3A : memref<!tpu.dma_semaphore, #tpu.memory_space<semaphore_mem>>)
      %dma_wait3A = arith.constant 0 : i32
      %dma_wait3A_135 = tpu.memref_slice %arg3[%add3A_73, %dma_wait3A] : memref<3872x128xi32, #tpu.memory_space<hbm>> -> memref<64x128xi32, #tpu.memory_space<hbm>>
      %dma_wait3A_136 = arith.constant 0 : i32
      %dma_wait3A_137 = tpu.memref_slice %arg3[%add3A_73, %dma_wait3A_136] : memref<3872x128xi32, #tpu.memory_space<hbm>> -> memref<64x128xi32, #tpu.memory_space<hbm>>
      tpu.wait_dma2 semaphore(%run_scoped3A : memref<!tpu.dma_semaphore, #tpu.memory_space<semaphore_mem>>) src(%dma_wait3A_137 : memref<64x128xi32, #tpu.memory_space<hbm>>) dst(%arg6 : memref<64x128xi32, #tpu.memory_space<vmem>>)
      tpu.yield
    }) : () -> ()
    "tpu.region"() ({
      %run_scoped3A = tpu.sem_alloc : memref<!tpu.dma_semaphore, #tpu.memory_space<semaphore_mem>>
      %dma_start3A = arith.constant 0 : i32
      %dma_start3A_132 = tpu.memref_slice %arg4[%add3A_73, %dma_start3A] : memref<3872x128xi32, #tpu.memory_space<hbm>> -> memref<64x128xi32, #tpu.memory_space<hbm>>
      %dma_start3A_133 = arith.constant 0 : i32
      %dma_start3A_134 = tpu.memref_slice %arg4[%add3A_73, %dma_start3A_133] : memref<3872x128xi32, #tpu.memory_space<hbm>> -> memref<64x128xi32, #tpu.memory_space<hbm>>
      tpu.enqueue_dma source(%dma_start3A_134 : memref<64x128xi32, #tpu.memory_space<hbm>>) target(%arg7 : memref<64x128xi32, #tpu.memory_space<vmem>>) target_semaphore(%run_scoped3A : memref<!tpu.dma_semaphore, #tpu.memory_space<semaphore_mem>>)
      %dma_wait3A = arith.constant 0 : i32
      %dma_wait3A_135 = tpu.memref_slice %arg4[%add3A_73, %dma_wait3A] : memref<3872x128xi32, #tpu.memory_space<hbm>> -> memref<64x128xi32, #tpu.memory_space<hbm>>
      %dma_wait3A_136 = arith.constant 0 : i32
      %dma_wait3A_137 = tpu.memref_slice %arg4[%add3A_73, %dma_wait3A_136] : memref<3872x128xi32, #tpu.memory_space<hbm>> -> memref<64x128xi32, #tpu.memory_space<hbm>>
      tpu.wait_dma2 semaphore(%run_scoped3A : memref<!tpu.dma_semaphore, #tpu.memory_space<semaphore_mem>>) src(%dma_wait3A_137 : memref<64x128xi32, #tpu.memory_space<hbm>>) dst(%arg7 : memref<64x128xi32, #tpu.memory_space<vmem>>)
      tpu.yield
    }) : () -> ()
    %sub3A_74 = arith.constant 64 : i32
    %sub3A_75 = arith.subi %select_n3A_24, %sub3A_74 : i32
    %jit3A_76 = arith.constant 0 : i32
    %jit3A_77 = arith.constant 64 : i32
    %max3A_78 = arith.maxsi %jit3A_76, %sub3A_75 : i32
    %min3A_79 = arith.minsi %jit3A_77, %max3A_78 : i32
    %gt3A_80 = arith.constant 0 : i32
    %gt3A_81 = arith.cmpi sgt, %min3A_79, %gt3A_80 : i32
    %convert_element_type3A_82 = arith.extui %gt3A_81 : i1 to i32
    %cond3A_83 = arith.constant 0 : i32
    %cond3A_84 = arith.cmpi ne, %convert_element_type3A_82, %cond3A_83 : i32
    scf.if %cond3A_84 {
      %dma_start3A = arith.constant 0 : i32
      %dma_start3A_132 = arith.constant 0 : i32
      %dma_start3A_133 = tpu.memref_slice %arg6[%dma_start3A, %dma_start3A_132] : memref<64x128xi32, #tpu.memory_space<vmem>> -> memref<1x128xi32, #tpu.memory_space<vmem>>
      %dma_start3A_134 = tpu.memref_squeeze %dma_start3A_133 : memref<1x128xi32, #tpu.memory_space<vmem>> -> memref<128xi32, #tpu.memory_space<vmem>>
      %dma_start3A_135 = arith.constant 0 : i32
      %dma_start3A_136 = arith.constant 0 : i32
      %dma_start3A_137 = tpu.memref_slice %arg2[%dma_start3A_135, %dma_start3A_136] : memref<10000x128xf32, #tpu.memory_space<hbm>> -> memref<10000x128xf32, #tpu.memory_space<hbm>>
      tpu.enqueue_indirect_dma source(%dma_start3A_137 : memref<10000x128xf32, #tpu.memory_space<hbm>>) target(%arg8 : memref<128x128xf32, #tpu.memory_space<vmem>>) offsets(%dma_start3A_134 : memref<128xi32, #tpu.memory_space<vmem>>) semaphore(%arg11 : memref<!tpu.dma_semaphore, #tpu.memory_space<semaphore_mem>>)
    } else {
    }
    %jit3A_85 = arith.constant 2 : i32
    %div3A_86 = arith.divsi %min3A_79, %jit3A_85 : i32
    %sign3A_87 = arith.constant 0 : i32
    %sign3A_88 = arith.cmpi sgt, %min3A_79, %sign3A_87 : i32
    %sign3A_89 = arith.extui %sign3A_88 : i1 to i32
    %sign3A_90 = arith.constant 0 : i32
    %sign3A_91 = arith.cmpi slt, %min3A_79, %sign3A_90 : i32
    %sign3A_92 = arith.extui %sign3A_91 : i1 to i32
    %sign3A_93 = arith.subi %sign3A_89, %sign3A_92 : i32
    %sign3A_94 = arith.constant 0 : i32
    %sign3A_95 = arith.cmpi sgt, %jit3A_85, %sign3A_94 : i32
    %sign3A_96 = arith.extui %sign3A_95 : i1 to i32
    %sign3A_97 = arith.constant 0 : i32
    %sign3A_98 = arith.cmpi slt, %jit3A_85, %sign3A_97 : i32
    %sign3A_99 = arith.extui %sign3A_98 : i1 to i32
    %sign3A_100 = arith.subi %sign3A_96, %sign3A_99 : i32
    %ne3A_101 = arith.cmpi ne, %sign3A_93, %sign3A_100 : i32
    %rem3A_102 = arith.remsi %min3A_79, %jit3A_85 : i32
    %ne3A_103 = arith.constant 0 : i32
    %ne3A_104 = arith.cmpi ne, %rem3A_102, %ne3A_103 : i32
    %and3A_105 = arith.andi %ne3A_101, %ne3A_104 : i1
    %sub3A_106 = arith.constant 1 : i32
    %sub3A_107 = arith.subi %div3A_86, %sub3A_106 : i32
    %select_n3A_108 = arith.select %and3A_105, %sub3A_107, %div3A_86 : i32
    %while3A_109 = arith.constant 0 : i32
    %while3A_110 = arith.constant 0 : i32
    %while3A_111 = arith.subi %select_n3A_108, %while3A_109 : i32
    %while3A_112 = arith.addi %while3A_109, %while3A_111 : i32
    %while3A_113 = arith.constant 1 : i32
    %while3A_114 = arith.divsi %while3A_111, %while3A_113 : i32
    %while3A_115 = arith.muli %while3A_114, %while3A_113 : i32
    %while3A_116 = arith.addi %while3A_109, %while3A_115 : i32
    %while3A_117 = arith.constant 1 : i32
    %while3A_118 = scf.for %while3A_132 = %while3A_109 to %while3A_116 step %while3A_117 iter_args(%while3A_133 = %while3A_110) -> (i32)  : i32 {
      %mul3A_134 = arith.constant 2 : i32
      %mul3A_135 = arith.muli %mul3A_134, %while3A_132 : i32
      %add3A_136 = arith.constant 1 : i32
      %add3A_137 = arith.addi %mul3A_135, %add3A_136 : i32
      %dma_start3A = arith.constant 0 : i32
      %dma_start3A_138 = tpu.memref_slice %arg6[%add3A_137, %dma_start3A] : memref<64x128xi32, #tpu.memory_space<vmem>> -> memref<1x128xi32, #tpu.memory_space<vmem>>
      %dma_start3A_139 = tpu.memref_squeeze %dma_start3A_138 : memref<1x128xi32, #tpu.memory_space<vmem>> -> memref<128xi32, #tpu.memory_space<vmem>>
      %dma_start3A_140 = arith.constant 0 : i32
      %dma_start3A_141 = arith.constant 0 : i32
      %dma_start3A_142 = tpu.memref_slice %arg2[%dma_start3A_140, %dma_start3A_141] : memref<10000x128xf32, #tpu.memory_space<hbm>> -> memref<10000x128xf32, #tpu.memory_space<hbm>>
      tpu.enqueue_indirect_dma source(%dma_start3A_142 : memref<10000x128xf32, #tpu.memory_space<hbm>>) target(%arg9 : memref<128x128xf32, #tpu.memory_space<vmem>>) offsets(%dma_start3A_139 : memref<128xi32, #tpu.memory_space<vmem>>) semaphore(%arg12 : memref<!tpu.dma_semaphore, #tpu.memory_space<semaphore_mem>>)
      %dma_wait3A = arith.constant 0 : i32
      %dma_wait3A_143 = arith.constant 0 : i32
      %dma_wait3A_144 = tpu.memref_slice %arg6[%dma_wait3A, %dma_wait3A_143] : memref<64x128xi32, #tpu.memory_space<vmem>> -> memref<1x128xi32, #tpu.memory_space<vmem>>
      %dma_wait3A_145 = tpu.memref_squeeze %dma_wait3A_144 : memref<1x128xi32, #tpu.memory_space<vmem>> -> memref<128xi32, #tpu.memory_space<vmem>>
      %dma_wait3A_146 = arith.constant 0 : i32
      %dma_wait3A_147 = arith.constant 0 : i32
      %dma_wait3A_148 = tpu.memref_slice %arg2[%dma_wait3A_146, %dma_wait3A_147] : memref<10000x128xf32, #tpu.memory_space<hbm>> -> memref<10000x128xf32, #tpu.memory_space<hbm>>
      tpu.wait_indirect_dma semaphore(%arg11 : memref<!tpu.dma_semaphore, #tpu.memory_space<semaphore_mem>>) src(%dma_wait3A_148 : memref<10000x128xf32, #tpu.memory_space<hbm>>) dst(%arg8 : memref<128x128xf32, #tpu.memory_space<vmem>>)
      "tpu.region"() ({
        %run_scoped3A = tpu.sem_alloc : memref<!tpu.dma_semaphore, #tpu.memory_space<semaphore_mem>>
        %dma_start3A_168 = arith.constant 0 : i32
        %dma_start3A_169 = tpu.memref_slice %arg7[%mul3A_135, %dma_start3A_168] : memref<64x128xi32, #tpu.memory_space<vmem>> -> memref<1x128xi32, #tpu.memory_space<vmem>>
        %dma_start3A_170 = tpu.memref_squeeze %dma_start3A_169 : memref<1x128xi32, #tpu.memory_space<vmem>> -> memref<128xi32, #tpu.memory_space<vmem>>
        %dma_start3A_171 = arith.constant 0 : i32
        %dma_start3A_172 = arith.constant 0 : i32
        %dma_start3A_173 = tpu.memref_slice %arg10[%dma_start3A_171, %dma_start3A_172] : memref<10016x128xf32, #tpu.memory_space<vmem_shared>> -> memref<10016x128xf32, #tpu.memory_space<vmem_shared>>
        tpu.enqueue_indirect_dma source(%arg8 : memref<128x128xf32, #tpu.memory_space<vmem>>) target(%dma_start3A_173 : memref<10016x128xf32, #tpu.memory_space<vmem_shared>>) offsets(%dma_start3A_170 : memref<128xi32, #tpu.memory_space<vmem>>) semaphore(%run_scoped3A : memref<!tpu.dma_semaphore, #tpu.memory_space<semaphore_mem>>) {add = true}
        %dma_wait3A_174 = arith.constant 0 : i32
        %dma_wait3A_175 = tpu.memref_slice %arg7[%mul3A_135, %dma_wait3A_174] : memref<64x128xi32, #tpu.memory_space<vmem>> -> memref<1x128xi32, #tpu.memory_space<vmem>>
        %dma_wait3A_176 = tpu.memref_squeeze %dma_wait3A_175 : memref<1x128xi32, #tpu.memory_space<vmem>> -> memref<128xi32, #tpu.memory_space<vmem>>
        %dma_wait3A_177 = arith.constant 0 : i32
        %dma_wait3A_178 = arith.constant 0 : i32
        %dma_wait3A_179 = tpu.memref_slice %arg10[%dma_wait3A_177, %dma_wait3A_178] : memref<10016x128xf32, #tpu.memory_space<vmem_shared>> -> memref<10016x128xf32, #tpu.memory_space<vmem_shared>>
        tpu.wait_indirect_dma semaphore(%run_scoped3A : memref<!tpu.dma_semaphore, #tpu.memory_space<semaphore_mem>>) src(%arg8 : memref<128x128xf32, #tpu.memory_space<vmem>>) dst(%dma_wait3A_179 : memref<10016x128xf32, #tpu.memory_space<vmem_shared>>)
        tpu.yield
      }) : () -> ()
      %add3A_149 = arith.constant 2 : i32
      %add3A_150 = arith.addi %mul3A_135, %add3A_149 : i32
      %sub3A_151 = arith.constant 1 : i32
      %sub3A_152 = arith.subi %min3A_79, %sub3A_151 : i32
      %min3A_153 = arith.minsi %add3A_150, %sub3A_152 : i32
      %dma_start3A_154 = arith.constant 0 : i32
      %dma_start3A_155 = tpu.memref_slice %arg6[%min3A_153, %dma_start3A_154] : memref<64x128xi32, #tpu.memory_space<vmem>> -> memref<1x128xi32, #tpu.memory_space<vmem>>
      %dma_start3A_156 = tpu.memref_squeeze %dma_start3A_155 : memref<1x128xi32, #tpu.memory_space<vmem>> -> memref<128xi32, #tpu.memory_space<vmem>>
      %dma_start3A_157 = arith.constant 0 : i32
      %dma_start3A_158 = arith.constant 0 : i32
      %dma_start3A_159 = tpu.memref_slice %arg2[%dma_start3A_157, %dma_start3A_158] : memref<10000x128xf32, #tpu.memory_space<hbm>> -> memref<10000x128xf32, #tpu.memory_space<hbm>>
      tpu.enqueue_indirect_dma source(%dma_start3A_159 : memref<10000x128xf32, #tpu.memory_space<hbm>>) target(%arg8 : memref<128x128xf32, #tpu.memory_space<vmem>>) offsets(%dma_start3A_156 : memref<128xi32, #tpu.memory_space<vmem>>) semaphore(%arg11 : memref<!tpu.dma_semaphore, #tpu.memory_space<semaphore_mem>>)
      %dma_wait3A_160 = arith.constant 0 : i32
      %dma_wait3A_161 = arith.constant 0 : i32
      %dma_wait3A_162 = tpu.memref_slice %arg6[%dma_wait3A_160, %dma_wait3A_161] : memref<64x128xi32, #tpu.memory_space<vmem>> -> memref<1x128xi32, #tpu.memory_space<vmem>>
      %dma_wait3A_163 = tpu.memref_squeeze %dma_wait3A_162 : memref<1x128xi32, #tpu.memory_space<vmem>> -> memref<128xi32, #tpu.memory_space<vmem>>
      %dma_wait3A_164 = arith.constant 0 : i32
      %dma_wait3A_165 = arith.constant 0 : i32
      %dma_wait3A_166 = tpu.memref_slice %arg2[%dma_wait3A_164, %dma_wait3A_165] : memref<10000x128xf32, #tpu.memory_space<hbm>> -> memref<10000x128xf32, #tpu.memory_space<hbm>>
      tpu.wait_indirect_dma semaphore(%arg12 : memref<!tpu.dma_semaphore, #tpu.memory_space<semaphore_mem>>) src(%dma_wait3A_166 : memref<10000x128xf32, #tpu.memory_space<hbm>>) dst(%arg9 : memref<128x128xf32, #tpu.memory_space<vmem>>)
      "tpu.region"() ({
        %run_scoped3A = tpu.sem_alloc : memref<!tpu.dma_semaphore, #tpu.memory_space<semaphore_mem>>
        %dma_start3A_168 = arith.constant 0 : i32
        %dma_start3A_169 = tpu.memref_slice %arg7[%add3A_137, %dma_start3A_168] : memref<64x128xi32, #tpu.memory_space<vmem>> -> memref<1x128xi32, #tpu.memory_space<vmem>>
        %dma_start3A_170 = tpu.memref_squeeze %dma_start3A_169 : memref<1x128xi32, #tpu.memory_space<vmem>> -> memref<128xi32, #tpu.memory_space<vmem>>
        %dma_start3A_171 = arith.constant 0 : i32
        %dma_start3A_172 = arith.constant 0 : i32
        %dma_start3A_173 = tpu.memref_slice %arg10[%dma_start3A_171, %dma_start3A_172] : memref<10016x128xf32, #tpu.memory_space<vmem_shared>> -> memref<10016x128xf32, #tpu.memory_space<vmem_shared>>
        tpu.enqueue_indirect_dma source(%arg9 : memref<128x128xf32, #tpu.memory_space<vmem>>) target(%dma_start3A_173 : memref<10016x128xf32, #tpu.memory_space<vmem_shared>>) offsets(%dma_start3A_170 : memref<128xi32, #tpu.memory_space<vmem>>) semaphore(%run_scoped3A : memref<!tpu.dma_semaphore, #tpu.memory_space<semaphore_mem>>) {add = true}
        %dma_wait3A_174 = arith.constant 0 : i32
        %dma_wait3A_175 = tpu.memref_slice %arg7[%add3A_137, %dma_wait3A_174] : memref<64x128xi32, #tpu.memory_space<vmem>> -> memref<1x128xi32, #tpu.memory_space<vmem>>
        %dma_wait3A_176 = tpu.memref_squeeze %dma_wait3A_175 : memref<1x128xi32, #tpu.memory_space<vmem>> -> memref<128xi32, #tpu.memory_space<vmem>>
        %dma_wait3A_177 = arith.constant 0 : i32
        %dma_wait3A_178 = arith.constant 0 : i32
        %dma_wait3A_179 = tpu.memref_slice %arg10[%dma_wait3A_177, %dma_wait3A_178] : memref<10016x128xf32, #tpu.memory_space<vmem_shared>> -> memref<10016x128xf32, #tpu.memory_space<vmem_shared>>
        tpu.wait_indirect_dma semaphore(%run_scoped3A : memref<!tpu.dma_semaphore, #tpu.memory_space<semaphore_mem>>) src(%arg9 : memref<128x128xf32, #tpu.memory_space<vmem>>) dst(%dma_wait3A_179 : memref<10016x128xf32, #tpu.memory_space<vmem_shared>>)
        tpu.yield
      }) : () -> ()
      %while3A_167 = arith.constant 0 : i32
      scf.yield %while3A_167 : i32
    }
    %while3A_119 = arith.constant 1 : i32
    %while3A_120 = scf.for %while3A_132 = %while3A_116 to %while3A_112 step %while3A_119 iter_args(%while3A_133 = %while3A_118) -> (i32)  : i32 {
      %mul3A_134 = arith.constant 2 : i32
      %mul3A_135 = arith.muli %mul3A_134, %while3A_132 : i32
      %add3A_136 = arith.constant 1 : i32
      %add3A_137 = arith.addi %mul3A_135, %add3A_136 : i32
      %dma_start3A = arith.constant 0 : i32
      %dma_start3A_138 = tpu.memref_slice %arg6[%add3A_137, %dma_start3A] : memref<64x128xi32, #tpu.memory_space<vmem>> -> memref<1x128xi32, #tpu.memory_space<vmem>>
      %dma_start3A_139 = tpu.memref_squeeze %dma_start3A_138 : memref<1x128xi32, #tpu.memory_space<vmem>> -> memref<128xi32, #tpu.memory_space<vmem>>
      %dma_start3A_140 = arith.constant 0 : i32
      %dma_start3A_141 = arith.constant 0 : i32
      %dma_start3A_142 = tpu.memref_slice %arg2[%dma_start3A_140, %dma_start3A_141] : memref<10000x128xf32, #tpu.memory_space<hbm>> -> memref<10000x128xf32, #tpu.memory_space<hbm>>
      tpu.enqueue_indirect_dma source(%dma_start3A_142 : memref<10000x128xf32, #tpu.memory_space<hbm>>) target(%arg9 : memref<128x128xf32, #tpu.memory_space<vmem>>) offsets(%dma_start3A_139 : memref<128xi32, #tpu.memory_space<vmem>>) semaphore(%arg12 : memref<!tpu.dma_semaphore, #tpu.memory_space<semaphore_mem>>)
      %dma_wait3A = arith.constant 0 : i32
      %dma_wait3A_143 = arith.constant 0 : i32
      %dma_wait3A_144 = tpu.memref_slice %arg6[%dma_wait3A, %dma_wait3A_143] : memref<64x128xi32, #tpu.memory_space<vmem>> -> memref<1x128xi32, #tpu.memory_space<vmem>>
      %dma_wait3A_145 = tpu.memref_squeeze %dma_wait3A_144 : memref<1x128xi32, #tpu.memory_space<vmem>> -> memref<128xi32, #tpu.memory_space<vmem>>
      %dma_wait3A_146 = arith.constant 0 : i32
      %dma_wait3A_147 = arith.constant 0 : i32
      %dma_wait3A_148 = tpu.memref_slice %arg2[%dma_wait3A_146, %dma_wait3A_147] : memref<10000x128xf32, #tpu.memory_space<hbm>> -> memref<10000x128xf32, #tpu.memory_space<hbm>>
      tpu.wait_indirect_dma semaphore(%arg11 : memref<!tpu.dma_semaphore, #tpu.memory_space<semaphore_mem>>) src(%dma_wait3A_148 : memref<10000x128xf32, #tpu.memory_space<hbm>>) dst(%arg8 : memref<128x128xf32, #tpu.memory_space<vmem>>)
      "tpu.region"() ({
        %run_scoped3A = tpu.sem_alloc : memref<!tpu.dma_semaphore, #tpu.memory_space<semaphore_mem>>
        %dma_start3A_168 = arith.constant 0 : i32
        %dma_start3A_169 = tpu.memref_slice %arg7[%mul3A_135, %dma_start3A_168] : memref<64x128xi32, #tpu.memory_space<vmem>> -> memref<1x128xi32, #tpu.memory_space<vmem>>
        %dma_start3A_170 = tpu.memref_squeeze %dma_start3A_169 : memref<1x128xi32, #tpu.memory_space<vmem>> -> memref<128xi32, #tpu.memory_space<vmem>>
        %dma_start3A_171 = arith.constant 0 : i32
        %dma_start3A_172 = arith.constant 0 : i32
        %dma_start3A_173 = tpu.memref_slice %arg10[%dma_start3A_171, %dma_start3A_172] : memref<10016x128xf32, #tpu.memory_space<vmem_shared>> -> memref<10016x128xf32, #tpu.memory_space<vmem_shared>>
        tpu.enqueue_indirect_dma source(%arg8 : memref<128x128xf32, #tpu.memory_space<vmem>>) target(%dma_start3A_173 : memref<10016x128xf32, #tpu.memory_space<vmem_shared>>) offsets(%dma_start3A_170 : memref<128xi32, #tpu.memory_space<vmem>>) semaphore(%run_scoped3A : memref<!tpu.dma_semaphore, #tpu.memory_space<semaphore_mem>>) {add = true}
        %dma_wait3A_174 = arith.constant 0 : i32
        %dma_wait3A_175 = tpu.memref_slice %arg7[%mul3A_135, %dma_wait3A_174] : memref<64x128xi32, #tpu.memory_space<vmem>> -> memref<1x128xi32, #tpu.memory_space<vmem>>
        %dma_wait3A_176 = tpu.memref_squeeze %dma_wait3A_175 : memref<1x128xi32, #tpu.memory_space<vmem>> -> memref<128xi32, #tpu.memory_space<vmem>>
        %dma_wait3A_177 = arith.constant 0 : i32
        %dma_wait3A_178 = arith.constant 0 : i32
        %dma_wait3A_179 = tpu.memref_slice %arg10[%dma_wait3A_177, %dma_wait3A_178] : memref<10016x128xf32, #tpu.memory_space<vmem_shared>> -> memref<10016x128xf32, #tpu.memory_space<vmem_shared>>
        tpu.wait_indirect_dma semaphore(%run_scoped3A : memref<!tpu.dma_semaphore, #tpu.memory_space<semaphore_mem>>) src(%arg8 : memref<128x128xf32, #tpu.memory_space<vmem>>) dst(%dma_wait3A_179 : memref<10016x128xf32, #tpu.memory_space<vmem_shared>>)
        tpu.yield
      }) : () -> ()
      %add3A_149 = arith.constant 2 : i32
      %add3A_150 = arith.addi %mul3A_135, %add3A_149 : i32
      %sub3A_151 = arith.constant 1 : i32
      %sub3A_152 = arith.subi %min3A_79, %sub3A_151 : i32
      %min3A_153 = arith.minsi %add3A_150, %sub3A_152 : i32
      %dma_start3A_154 = arith.constant 0 : i32
      %dma_start3A_155 = tpu.memref_slice %arg6[%min3A_153, %dma_start3A_154] : memref<64x128xi32, #tpu.memory_space<vmem>> -> memref<1x128xi32, #tpu.memory_space<vmem>>
      %dma_start3A_156 = tpu.memref_squeeze %dma_start3A_155 : memref<1x128xi32, #tpu.memory_space<vmem>> -> memref<128xi32, #tpu.memory_space<vmem>>
      %dma_start3A_157 = arith.constant 0 : i32
      %dma_start3A_158 = arith.constant 0 : i32
      %dma_start3A_159 = tpu.memref_slice %arg2[%dma_start3A_157, %dma_start3A_158] : memref<10000x128xf32, #tpu.memory_space<hbm>> -> memref<10000x128xf32, #tpu.memory_space<hbm>>
      tpu.enqueue_indirect_dma source(%dma_start3A_159 : memref<10000x128xf32, #tpu.memory_space<hbm>>) target(%arg8 : memref<128x128xf32, #tpu.memory_space<vmem>>) offsets(%dma_start3A_156 : memref<128xi32, #tpu.memory_space<vmem>>) semaphore(%arg11 : memref<!tpu.dma_semaphore, #tpu.memory_space<semaphore_mem>>)
      %dma_wait3A_160 = arith.constant 0 : i32
      %dma_wait3A_161 = arith.constant 0 : i32
      %dma_wait3A_162 = tpu.memref_slice %arg6[%dma_wait3A_160, %dma_wait3A_161] : memref<64x128xi32, #tpu.memory_space<vmem>> -> memref<1x128xi32, #tpu.memory_space<vmem>>
      %dma_wait3A_163 = tpu.memref_squeeze %dma_wait3A_162 : memref<1x128xi32, #tpu.memory_space<vmem>> -> memref<128xi32, #tpu.memory_space<vmem>>
      %dma_wait3A_164 = arith.constant 0 : i32
      %dma_wait3A_165 = arith.constant 0 : i32
      %dma_wait3A_166 = tpu.memref_slice %arg2[%dma_wait3A_164, %dma_wait3A_165] : memref<10000x128xf32, #tpu.memory_space<hbm>> -> memref<10000x128xf32, #tpu.memory_space<hbm>>
      tpu.wait_indirect_dma semaphore(%arg12 : memref<!tpu.dma_semaphore, #tpu.memory_space<semaphore_mem>>) src(%dma_wait3A_166 : memref<10000x128xf32, #tpu.memory_space<hbm>>) dst(%arg9 : memref<128x128xf32, #tpu.memory_space<vmem>>)
      "tpu.region"() ({
        %run_scoped3A = tpu.sem_alloc : memref<!tpu.dma_semaphore, #tpu.memory_space<semaphore_mem>>
        %dma_start3A_168 = arith.constant 0 : i32
        %dma_start3A_169 = tpu.memref_slice %arg7[%add3A_137, %dma_start3A_168] : memref<64x128xi32, #tpu.memory_space<vmem>> -> memref<1x128xi32, #tpu.memory_space<vmem>>
        %dma_start3A_170 = tpu.memref_squeeze %dma_start3A_169 : memref<1x128xi32, #tpu.memory_space<vmem>> -> memref<128xi32, #tpu.memory_space<vmem>>
        %dma_start3A_171 = arith.constant 0 : i32
        %dma_start3A_172 = arith.constant 0 : i32
        %dma_start3A_173 = tpu.memref_slice %arg10[%dma_start3A_171, %dma_start3A_172] : memref<10016x128xf32, #tpu.memory_space<vmem_shared>> -> memref<10016x128xf32, #tpu.memory_space<vmem_shared>>
        tpu.enqueue_indirect_dma source(%arg9 : memref<128x128xf32, #tpu.memory_space<vmem>>) target(%dma_start3A_173 : memref<10016x128xf32, #tpu.memory_space<vmem_shared>>) offsets(%dma_start3A_170 : memref<128xi32, #tpu.memory_space<vmem>>) semaphore(%run_scoped3A : memref<!tpu.dma_semaphore, #tpu.memory_space<semaphore_mem>>) {add = true}
        %dma_wait3A_174 = arith.constant 0 : i32
        %dma_wait3A_175 = tpu.memref_slice %arg7[%add3A_137, %dma_wait3A_174] : memref<64x128xi32, #tpu.memory_space<vmem>> -> memref<1x128xi32, #tpu.memory_space<vmem>>
        %dma_wait3A_176 = tpu.memref_squeeze %dma_wait3A_175 : memref<1x128xi32, #tpu.memory_space<vmem>> -> memref<128xi32, #tpu.memory_space<vmem>>
        %dma_wait3A_177 = arith.constant 0 : i32
        %dma_wait3A_178 = arith.constant 0 : i32
        %dma_wait3A_179 = tpu.memref_slice %arg10[%dma_wait3A_177, %dma_wait3A_178] : memref<10016x128xf32, #tpu.memory_space<vmem_shared>> -> memref<10016x128xf32, #tpu.memory_space<vmem_shared>>
        tpu.wait_indirect_dma semaphore(%run_scoped3A : memref<!tpu.dma_semaphore, #tpu.memory_space<semaphore_mem>>) src(%arg9 : memref<128x128xf32, #tpu.memory_space<vmem>>) dst(%dma_wait3A_179 : memref<10016x128xf32, #tpu.memory_space<vmem_shared>>)
        tpu.yield
      }) : () -> ()
      %while3A_167 = arith.constant 0 : i32
      scf.yield %while3A_167 : i32
    }
    %gt3A_121 = arith.constant 0 : i32
    %gt3A_122 = arith.cmpi sgt, %min3A_79, %gt3A_121 : i32
    %convert_element_type3A_123 = arith.extui %gt3A_122 : i1 to i32
    %cond3A_124 = arith.constant 0 : i32
    %cond3A_125 = arith.cmpi ne, %convert_element_type3A_123, %cond3A_124 : i32
    scf.if %cond3A_125 {
      %dma_wait3A = arith.constant 0 : i32
      %dma_wait3A_132 = arith.constant 0 : i32
      %dma_wait3A_133 = tpu.memref_slice %arg6[%dma_wait3A, %dma_wait3A_132] : memref<64x128xi32, #tpu.memory_space<vmem>> -> memref<1x128xi32, #tpu.memory_space<vmem>>
      %dma_wait3A_134 = tpu.memref_squeeze %dma_wait3A_133 : memref<1x128xi32, #tpu.memory_space<vmem>> -> memref<128xi32, #tpu.memory_space<vmem>>
      %dma_wait3A_135 = arith.constant 0 : i32
      %dma_wait3A_136 = arith.constant 0 : i32
      %dma_wait3A_137 = tpu.memref_slice %arg2[%dma_wait3A_135, %dma_wait3A_136] : memref<10000x128xf32, #tpu.memory_space<hbm>> -> memref<10000x128xf32, #tpu.memory_space<hbm>>
      tpu.wait_indirect_dma semaphore(%arg11 : memref<!tpu.dma_semaphore, #tpu.memory_space<semaphore_mem>>) src(%dma_wait3A_137 : memref<10000x128xf32, #tpu.memory_space<hbm>>) dst(%arg8 : memref<128x128xf32, #tpu.memory_space<vmem>>)
    } else {
    }
    %barrier3A_126 = arith.constant 0 : index
    tpu.barrier barrier_id(%barrier3A_126)
    "tpu.region"() ({
      %run_scoped3A = tpu.sem_alloc : memref<!tpu.dma_semaphore, #tpu.memory_space<semaphore_mem>>
      %dma_start3A = arith.constant 0 : i32
      %dma_start3A_132 = tpu.memref_slice %arg5[%arg0, %mul3A_8, %dma_start3A] : memref<2x10000x128xf32, #tpu.memory_space<hbm>> -> memref<1x624x128xf32, #tpu.memory_space<hbm>>
      %dma_start3A_133 = tpu.memref_squeeze %dma_start3A_132 : memref<1x624x128xf32, #tpu.memory_space<hbm>> -> memref<624x128xf32, #tpu.memory_space<hbm>>
      %dma_start3A_134 = arith.constant 0 : i32
      %dma_start3A_135 = tpu.memref_slice %arg10[%mul3A_8, %dma_start3A_134] : memref<10016x128xf32, #tpu.memory_space<vmem_shared>> -> memref<624x128xf32, #tpu.memory_space<vmem_shared>>
      tpu.enqueue_dma source(%dma_start3A_135 : memref<624x128xf32, #tpu.memory_space<vmem_shared>>) target(%dma_start3A_133 : memref<624x128xf32, #tpu.memory_space<hbm>>) target_semaphore(%run_scoped3A : memref<!tpu.dma_semaphore, #tpu.memory_space<semaphore_mem>>)
      %dma_wait3A = arith.constant 0 : i32
      %dma_wait3A_136 = tpu.memref_slice %arg5[%arg0, %mul3A_8, %dma_wait3A] : memref<2x10000x128xf32, #tpu.memory_space<hbm>> -> memref<1x624x128xf32, #tpu.memory_space<hbm>>
      %dma_wait3A_137 = tpu.memref_squeeze %dma_wait3A_136 : memref<1x624x128xf32, #tpu.memory_space<hbm>> -> memref<624x128xf32, #tpu.memory_space<hbm>>
      %dma_wait3A_138 = arith.constant 0 : i32
      %dma_wait3A_139 = tpu.memref_slice %arg10[%mul3A_8, %dma_wait3A_138] : memref<10016x128xf32, #tpu.memory_space<vmem_shared>> -> memref<624x128xf32, #tpu.memory_space<vmem_shared>>
      tpu.wait_dma2 semaphore(%run_scoped3A : memref<!tpu.dma_semaphore, #tpu.memory_space<semaphore_mem>>) src(%dma_wait3A_139 : memref<624x128xf32, #tpu.memory_space<vmem_shared>>) dst(%dma_wait3A_137 : memref<624x128xf32, #tpu.memory_space<hbm>>)
      tpu.yield
    }) : () -> ()
    %eq3A_127 = arith.constant 15 : i32
    %eq3A_128 = arith.cmpi eq, %arg1, %eq3A_127 : i32
    %convert_element_type3A_129 = arith.extui %eq3A_128 : i1 to i32
    %cond3A_130 = arith.constant 0 : i32
    %cond3A_131 = arith.cmpi ne, %convert_element_type3A_129, %cond3A_130 : i32
    scf.if %cond3A_131 {
      "tpu.region"() ({
        %run_scoped3A = tpu.sem_alloc : memref<!tpu.dma_semaphore, #tpu.memory_space<semaphore_mem>>
        %dma_start3A = arith.constant 9984 : i32
        %dma_start3A_132 = arith.constant 0 : i32
        %dma_start3A_133 = tpu.memref_slice %arg5[%arg0, %dma_start3A, %dma_start3A_132] : memref<2x10000x128xf32, #tpu.memory_space<hbm>> -> memref<1x16x128xf32, #tpu.memory_space<hbm>>
        %dma_start3A_134 = tpu.memref_squeeze %dma_start3A_133 : memref<1x16x128xf32, #tpu.memory_space<hbm>> -> memref<16x128xf32, #tpu.memory_space<hbm>>
        %dma_start3A_135 = arith.constant 9984 : i32
        %dma_start3A_136 = arith.constant 0 : i32
        %dma_start3A_137 = tpu.memref_slice %arg10[%dma_start3A_135, %dma_start3A_136] : memref<10016x128xf32, #tpu.memory_space<vmem_shared>> -> memref<16x128xf32, #tpu.memory_space<vmem_shared>>
        tpu.enqueue_dma source(%dma_start3A_137 : memref<16x128xf32, #tpu.memory_space<vmem_shared>>) target(%dma_start3A_134 : memref<16x128xf32, #tpu.memory_space<hbm>>) target_semaphore(%run_scoped3A : memref<!tpu.dma_semaphore, #tpu.memory_space<semaphore_mem>>)
        %dma_wait3A = arith.constant 9984 : i32
        %dma_wait3A_138 = arith.constant 0 : i32
        %dma_wait3A_139 = tpu.memref_slice %arg5[%arg0, %dma_wait3A, %dma_wait3A_138] : memref<2x10000x128xf32, #tpu.memory_space<hbm>> -> memref<1x16x128xf32, #tpu.memory_space<hbm>>
        %dma_wait3A_140 = tpu.memref_squeeze %dma_wait3A_139 : memref<1x16x128xf32, #tpu.memory_space<hbm>> -> memref<16x128xf32, #tpu.memory_space<hbm>>
        %dma_wait3A_141 = arith.constant 9984 : i32
        %dma_wait3A_142 = arith.constant 0 : i32
        %dma_wait3A_143 = tpu.memref_slice %arg10[%dma_wait3A_141, %dma_wait3A_142] : memref<10016x128xf32, #tpu.memory_space<vmem_shared>> -> memref<16x128xf32, #tpu.memory_space<vmem_shared>>
        tpu.wait_dma2 semaphore(%run_scoped3A : memref<!tpu.dma_semaphore, #tpu.memory_space<semaphore_mem>>) src(%dma_wait3A_143 : memref<16x128xf32, #tpu.memory_space<vmem_shared>>) dst(%dma_wait3A_140 : memref<16x128xf32, #tpu.memory_space<hbm>>)
        tpu.yield
      }) : () -> ()
    } else {
    }
    return
  }
}

#map = affine_map<(d0, d1) -> (0, 0)>
#map1 = affine_map<(d0, d1) -> (0, 0, 0)>
module attributes {stable_mosaic.version = 14 : i64} {
  func.func @deg_sc(%arg0: i32, %arg1: i32, %arg2: memref<2560x128xi32, #tpu.memory_space<hbm>>, %arg3: memref<2x10000x128xf32, #tpu.memory_space<hbm>>, %arg4: memref<80x128xi32, #tpu.memory_space<vmem>>, %arg5: memref<128x128xf32, #tpu.memory_space<vmem>>, %arg6: memref<10016x128xf32, #tpu.memory_space<vmem_shared>>) attributes {dimension_semantics = [#tpu.dimension_semantics<core_parallel>, #tpu.dimension_semantics<subcore_parallel>], iteration_bounds = array<i64: 2, 16>, scalar_prefetch = 0 : i64, scratch_operands = 3 : i64, tpu.core_type = #tpu.core_type<sc_vector_subcore>, window_params = [{transform_indices = #map}, {transform_indices = #map1}]} {
    %mul3A = arith.constant 16 : i32
    %mul3A_0 = arith.muli %arg0, %mul3A : i32
    %add3A = arith.addi %mul3A_0, %arg1 : i32
    %scan3A = arith.constant 0 : i32
    %scan3A_1 = arith.constant 0 : i32
    %scan3A_2 = arith.constant 128 : i32
    %scan3A_3 = arith.addi %scan3A_1, %scan3A_2 : i32
    %scan3A_4 = arith.constant 1 : i32
    %scan3A_5 = scf.for %scan3A_43 = %scan3A_1 to %scan3A_3 step %scan3A_4 iter_args(%scan3A_44 = %scan3A) -> (i32)  : i32 {
      %broadcast_in_dim3A = arith.constant 0.000000e+00 : f32
      %broadcast_in_dim3A_45 = vector.broadcast %broadcast_in_dim3A : f32 to vector<16xf32>
      %swap3A = arith.index_cast %scan3A_43 : i32 to index
      %swap3A_46 = arith.constant 0 : index
      %swap3A_47 = tpu.vector_load %arg5[%swap3A, %swap3A_46] {strides = array<i32>} : memref<128x128xf32, #tpu.memory_space<vmem>>, vector<1x16xf32>,
      %swap3A_48 = vector.shape_cast %swap3A_47 : vector<1x16xf32> to vector<16xf32>
      %swap3A_49 = vector.shape_cast %broadcast_in_dim3A_45 : vector<16xf32> to vector<1x16xf32>
      tpu.vector_store %arg5[%swap3A, %swap3A_46], %swap3A_49 {strides = array<i32>} : memref<128x128xf32, #tpu.memory_space<vmem>>, vector<1x16xf32>,
      %broadcast_in_dim3A_50 = arith.constant 0.000000e+00 : f32
      %broadcast_in_dim3A_51 = vector.broadcast %broadcast_in_dim3A_50 : f32 to vector<16xf32>
      %swap3A_52 = arith.index_cast %scan3A_43 : i32 to index
      %swap3A_53 = arith.constant 16 : index
      %swap3A_54 = tpu.vector_load %arg5[%swap3A_52, %swap3A_53] {strides = array<i32>} : memref<128x128xf32, #tpu.memory_space<vmem>>, vector<1x16xf32>,
      %swap3A_55 = vector.shape_cast %swap3A_54 : vector<1x16xf32> to vector<16xf32>
      %swap3A_56 = vector.shape_cast %broadcast_in_dim3A_51 : vector<16xf32> to vector<1x16xf32>
      tpu.vector_store %arg5[%swap3A_52, %swap3A_53], %swap3A_56 {strides = array<i32>} : memref<128x128xf32, #tpu.memory_space<vmem>>, vector<1x16xf32>,
      %broadcast_in_dim3A_57 = arith.constant 0.000000e+00 : f32
      %broadcast_in_dim3A_58 = vector.broadcast %broadcast_in_dim3A_57 : f32 to vector<16xf32>
      %swap3A_59 = arith.index_cast %scan3A_43 : i32 to index
      %swap3A_60 = arith.constant 32 : index
      %swap3A_61 = tpu.vector_load %arg5[%swap3A_59, %swap3A_60] {strides = array<i32>} : memref<128x128xf32, #tpu.memory_space<vmem>>, vector<1x16xf32>,
      %swap3A_62 = vector.shape_cast %swap3A_61 : vector<1x16xf32> to vector<16xf32>
      %swap3A_63 = vector.shape_cast %broadcast_in_dim3A_58 : vector<16xf32> to vector<1x16xf32>
      tpu.vector_store %arg5[%swap3A_59, %swap3A_60], %swap3A_63 {strides = array<i32>} : memref<128x128xf32, #tpu.memory_space<vmem>>, vector<1x16xf32>,
      %broadcast_in_dim3A_64 = arith.constant 0.000000e+00 : f32
      %broadcast_in_dim3A_65 = vector.broadcast %broadcast_in_dim3A_64 : f32 to vector<16xf32>
      %swap3A_66 = arith.index_cast %scan3A_43 : i32 to index
      %swap3A_67 = arith.constant 48 : index
      %swap3A_68 = tpu.vector_load %arg5[%swap3A_66, %swap3A_67] {strides = array<i32>} : memref<128x128xf32, #tpu.memory_space<vmem>>, vector<1x16xf32>,
      %swap3A_69 = vector.shape_cast %swap3A_68 : vector<1x16xf32> to vector<16xf32>
      %swap3A_70 = vector.shape_cast %broadcast_in_dim3A_65 : vector<16xf32> to vector<1x16xf32>
      tpu.vector_store %arg5[%swap3A_66, %swap3A_67], %swap3A_70 {strides = array<i32>} : memref<128x128xf32, #tpu.memory_space<vmem>>, vector<1x16xf32>,
      %broadcast_in_dim3A_71 = arith.constant 0.000000e+00 : f32
      %broadcast_in_dim3A_72 = vector.broadcast %broadcast_in_dim3A_71 : f32 to vector<16xf32>
      %swap3A_73 = arith.index_cast %scan3A_43 : i32 to index
      %swap3A_74 = arith.constant 64 : index
      %swap3A_75 = tpu.vector_load %arg5[%swap3A_73, %swap3A_74] {strides = array<i32>} : memref<128x128xf32, #tpu.memory_space<vmem>>, vector<1x16xf32>,
      %swap3A_76 = vector.shape_cast %swap3A_75 : vector<1x16xf32> to vector<16xf32>
      %swap3A_77 = vector.shape_cast %broadcast_in_dim3A_72 : vector<16xf32> to vector<1x16xf32>
      tpu.vector_store %arg5[%swap3A_73, %swap3A_74], %swap3A_77 {strides = array<i32>} : memref<128x128xf32, #tpu.memory_space<vmem>>, vector<1x16xf32>,
      %broadcast_in_dim3A_78 = arith.constant 0.000000e+00 : f32
      %broadcast_in_dim3A_79 = vector.broadcast %broadcast_in_dim3A_78 : f32 to vector<16xf32>
      %swap3A_80 = arith.index_cast %scan3A_43 : i32 to index
      %swap3A_81 = arith.constant 80 : index
      %swap3A_82 = tpu.vector_load %arg5[%swap3A_80, %swap3A_81] {strides = array<i32>} : memref<128x128xf32, #tpu.memory_space<vmem>>, vector<1x16xf32>,
      %swap3A_83 = vector.shape_cast %swap3A_82 : vector<1x16xf32> to vector<16xf32>
      %swap3A_84 = vector.shape_cast %broadcast_in_dim3A_79 : vector<16xf32> to vector<1x16xf32>
      tpu.vector_store %arg5[%swap3A_80, %swap3A_81], %swap3A_84 {strides = array<i32>} : memref<128x128xf32, #tpu.memory_space<vmem>>, vector<1x16xf32>,
      %broadcast_in_dim3A_85 = arith.constant 0.000000e+00 : f32
      %broadcast_in_dim3A_86 = vector.broadcast %broadcast_in_dim3A_85 : f32 to vector<16xf32>
      %swap3A_87 = arith.index_cast %scan3A_43 : i32 to index
      %swap3A_88 = arith.constant 96 : index
      %swap3A_89 = tpu.vector_load %arg5[%swap3A_87, %swap3A_88] {strides = array<i32>} : memref<128x128xf32, #tpu.memory_space<vmem>>, vector<1x16xf32>,
      %swap3A_90 = vector.shape_cast %swap3A_89 : vector<1x16xf32> to vector<16xf32>
      %swap3A_91 = vector.shape_cast %broadcast_in_dim3A_86 : vector<16xf32> to vector<1x16xf32>
      tpu.vector_store %arg5[%swap3A_87, %swap3A_88], %swap3A_91 {strides = array<i32>} : memref<128x128xf32, #tpu.memory_space<vmem>>, vector<1x16xf32>,
      %broadcast_in_dim3A_92 = arith.constant 0.000000e+00 : f32
      %broadcast_in_dim3A_93 = vector.broadcast %broadcast_in_dim3A_92 : f32 to vector<16xf32>
      %swap3A_94 = arith.index_cast %scan3A_43 : i32 to index
      %swap3A_95 = arith.constant 112 : index
      %swap3A_96 = tpu.vector_load %arg5[%swap3A_94, %swap3A_95] {strides = array<i32>} : memref<128x128xf32, #tpu.memory_space<vmem>>, vector<1x16xf32>,
      %swap3A_97 = vector.shape_cast %swap3A_96 : vector<1x16xf32> to vector<16xf32>
      %swap3A_98 = vector.shape_cast %broadcast_in_dim3A_93 : vector<16xf32> to vector<1x16xf32>
      tpu.vector_store %arg5[%swap3A_94, %swap3A_95], %swap3A_98 {strides = array<i32>} : memref<128x128xf32, #tpu.memory_space<vmem>>, vector<1x16xf32>,
      %scan3A_99 = arith.constant 0 : i32
      scf.yield %scan3A_99 : i32
    }
    %scan3A_6 = arith.constant 128 : i32
    %mul3A_7 = arith.constant 624 : i32
    %mul3A_8 = arith.muli %arg1, %mul3A_7 : i32
    %add3A_9 = arith.constant 0 : i32
    %add3A_10 = arith.addi %mul3A_8, %add3A_9 : i32
    "tpu.region"() ({
      %run_scoped3A = tpu.sem_alloc : memref<!tpu.dma_semaphore, #tpu.memory_space<semaphore_mem>>
      %dma_start3A = arith.constant 0 : i32
      %dma_start3A_43 = tpu.memref_slice %arg6[%add3A_10, %dma_start3A] : memref<10016x128xf32, #tpu.memory_space<vmem_shared>> -> memref<128x128xf32, #tpu.memory_space<vmem_shared>>
      %dma_start3A_44 = arith.constant 0 : i32
      %dma_start3A_45 = tpu.memref_slice %arg6[%add3A_10, %dma_start3A_44] : memref<10016x128xf32, #tpu.memory_space<vmem_shared>> -> memref<128x128xf32, #tpu.memory_space<vmem_shared>>
      tpu.enqueue_dma source(%arg5 : memref<128x128xf32, #tpu.memory_space<vmem>>) target(%dma_start3A_45 : memref<128x128xf32, #tpu.memory_space<vmem_shared>>) target_semaphore(%run_scoped3A : memref<!tpu.dma_semaphore, #tpu.memory_space<semaphore_mem>>)
      %dma_wait3A = arith.constant 0 : i32
      %dma_wait3A_46 = tpu.memref_slice %arg6[%add3A_10, %dma_wait3A] : memref<10016x128xf32, #tpu.memory_space<vmem_shared>> -> memref<128x128xf32, #tpu.memory_space<vmem_shared>>
      %dma_wait3A_47 = arith.constant 0 : i32
      %dma_wait3A_48 = tpu.memref_slice %arg6[%add3A_10, %dma_wait3A_47] : memref<10016x128xf32, #tpu.memory_space<vmem_shared>> -> memref<128x128xf32, #tpu.memory_space<vmem_shared>>
      tpu.wait_dma2 semaphore(%run_scoped3A : memref<!tpu.dma_semaphore, #tpu.memory_space<semaphore_mem>>) src(%arg5 : memref<128x128xf32, #tpu.memory_space<vmem>>) dst(%dma_wait3A_48 : memref<128x128xf32, #tpu.memory_space<vmem_shared>>)
      tpu.yield
    }) : () -> ()
    %add3A_11 = arith.constant 128 : i32
    %add3A_12 = arith.addi %mul3A_8, %add3A_11 : i32
    "tpu.region"() ({
      %run_scoped3A = tpu.sem_alloc : memref<!tpu.dma_semaphore, #tpu.memory_space<semaphore_mem>>
      %dma_start3A = arith.constant 0 : i32
      %dma_start3A_43 = tpu.memref_slice %arg6[%add3A_12, %dma_start3A] : memref<10016x128xf32, #tpu.memory_space<vmem_shared>> -> memref<128x128xf32, #tpu.memory_space<vmem_shared>>
      %dma_start3A_44 = arith.constant 0 : i32
      %dma_start3A_45 = tpu.memref_slice %arg6[%add3A_12, %dma_start3A_44] : memref<10016x128xf32, #tpu.memory_space<vmem_shared>> -> memref<128x128xf32, #tpu.memory_space<vmem_shared>>
      tpu.enqueue_dma source(%arg5 : memref<128x128xf32, #tpu.memory_space<vmem>>) target(%dma_start3A_45 : memref<128x128xf32, #tpu.memory_space<vmem_shared>>) target_semaphore(%run_scoped3A : memref<!tpu.dma_semaphore, #tpu.memory_space<semaphore_mem>>)
      %dma_wait3A = arith.constant 0 : i32
      %dma_wait3A_46 = tpu.memref_slice %arg6[%add3A_12, %dma_wait3A] : memref<10016x128xf32, #tpu.memory_space<vmem_shared>> -> memref<128x128xf32, #tpu.memory_space<vmem_shared>>
      %dma_wait3A_47 = arith.constant 0 : i32
      %dma_wait3A_48 = tpu.memref_slice %arg6[%add3A_12, %dma_wait3A_47] : memref<10016x128xf32, #tpu.memory_space<vmem_shared>> -> memref<128x128xf32, #tpu.memory_space<vmem_shared>>
      tpu.wait_dma2 semaphore(%run_scoped3A : memref<!tpu.dma_semaphore, #tpu.memory_space<semaphore_mem>>) src(%arg5 : memref<128x128xf32, #tpu.memory_space<vmem>>) dst(%dma_wait3A_48 : memref<128x128xf32, #tpu.memory_space<vmem_shared>>)
      tpu.yield
    }) : () -> ()
    %add3A_13 = arith.constant 256 : i32
    %add3A_14 = arith.addi %mul3A_8, %add3A_13 : i32
    "tpu.region"() ({
      %run_scoped3A = tpu.sem_alloc : memref<!tpu.dma_semaphore, #tpu.memory_space<semaphore_mem>>
      %dma_start3A = arith.constant 0 : i32
      %dma_start3A_43 = tpu.memref_slice %arg6[%add3A_14, %dma_start3A] : memref<10016x128xf32, #tpu.memory_space<vmem_shared>> -> memref<128x128xf32, #tpu.memory_space<vmem_shared>>
      %dma_start3A_44 = arith.constant 0 : i32
      %dma_start3A_45 = tpu.memref_slice %arg6[%add3A_14, %dma_start3A_44] : memref<10016x128xf32, #tpu.memory_space<vmem_shared>> -> memref<128x128xf32, #tpu.memory_space<vmem_shared>>
      tpu.enqueue_dma source(%arg5 : memref<128x128xf32, #tpu.memory_space<vmem>>) target(%dma_start3A_45 : memref<128x128xf32, #tpu.memory_space<vmem_shared>>) target_semaphore(%run_scoped3A : memref<!tpu.dma_semaphore, #tpu.memory_space<semaphore_mem>>)
      %dma_wait3A = arith.constant 0 : i32
      %dma_wait3A_46 = tpu.memref_slice %arg6[%add3A_14, %dma_wait3A] : memref<10016x128xf32, #tpu.memory_space<vmem_shared>> -> memref<128x128xf32, #tpu.memory_space<vmem_shared>>
      %dma_wait3A_47 = arith.constant 0 : i32
      %dma_wait3A_48 = tpu.memref_slice %arg6[%add3A_14, %dma_wait3A_47] : memref<10016x128xf32, #tpu.memory_space<vmem_shared>> -> memref<128x128xf32, #tpu.memory_space<vmem_shared>>
      tpu.wait_dma2 semaphore(%run_scoped3A : memref<!tpu.dma_semaphore, #tpu.memory_space<semaphore_mem>>) src(%arg5 : memref<128x128xf32, #tpu.memory_space<vmem>>) dst(%dma_wait3A_48 : memref<128x128xf32, #tpu.memory_space<vmem_shared>>)
      tpu.yield
    }) : () -> ()
    %add3A_15 = arith.constant 384 : i32
    %add3A_16 = arith.addi %mul3A_8, %add3A_15 : i32
    "tpu.region"() ({
      %run_scoped3A = tpu.sem_alloc : memref<!tpu.dma_semaphore, #tpu.memory_space<semaphore_mem>>
      %dma_start3A = arith.constant 0 : i32
      %dma_start3A_43 = tpu.memref_slice %arg6[%add3A_16, %dma_start3A] : memref<10016x128xf32, #tpu.memory_space<vmem_shared>> -> memref<128x128xf32, #tpu.memory_space<vmem_shared>>
      %dma_start3A_44 = arith.constant 0 : i32
      %dma_start3A_45 = tpu.memref_slice %arg6[%add3A_16, %dma_start3A_44] : memref<10016x128xf32, #tpu.memory_space<vmem_shared>> -> memref<128x128xf32, #tpu.memory_space<vmem_shared>>
      tpu.enqueue_dma source(%arg5 : memref<128x128xf32, #tpu.memory_space<vmem>>) target(%dma_start3A_45 : memref<128x128xf32, #tpu.memory_space<vmem_shared>>) target_semaphore(%run_scoped3A : memref<!tpu.dma_semaphore, #tpu.memory_space<semaphore_mem>>)
      %dma_wait3A = arith.constant 0 : i32
      %dma_wait3A_46 = tpu.memref_slice %arg6[%add3A_16, %dma_wait3A] : memref<10016x128xf32, #tpu.memory_space<vmem_shared>> -> memref<128x128xf32, #tpu.memory_space<vmem_shared>>
      %dma_wait3A_47 = arith.constant 0 : i32
      %dma_wait3A_48 = tpu.memref_slice %arg6[%add3A_16, %dma_wait3A_47] : memref<10016x128xf32, #tpu.memory_space<vmem_shared>> -> memref<128x128xf32, #tpu.memory_space<vmem_shared>>
      tpu.wait_dma2 semaphore(%run_scoped3A : memref<!tpu.dma_semaphore, #tpu.memory_space<semaphore_mem>>) src(%arg5 : memref<128x128xf32, #tpu.memory_space<vmem>>) dst(%dma_wait3A_48 : memref<128x128xf32, #tpu.memory_space<vmem_shared>>)
      tpu.yield
    }) : () -> ()
    %add3A_17 = arith.constant 512 : i32
    %add3A_18 = arith.addi %mul3A_8, %add3A_17 : i32
    "tpu.region"() ({
      %run_scoped3A = tpu.sem_alloc : memref<!tpu.dma_semaphore, #tpu.memory_space<semaphore_mem>>
      %dma_start3A = arith.constant 0 : i32
      %dma_start3A_43 = arith.constant 0 : i32
      %dma_start3A_44 = tpu.memref_slice %arg5[%dma_start3A, %dma_start3A_43] : memref<128x128xf32, #tpu.memory_space<vmem>> -> memref<112x128xf32, #tpu.memory_space<vmem>>
      %dma_start3A_45 = arith.constant 0 : i32
      %dma_start3A_46 = tpu.memref_slice %arg6[%add3A_18, %dma_start3A_45] : memref<10016x128xf32, #tpu.memory_space<vmem_shared>> -> memref<112x128xf32, #tpu.memory_space<vmem_shared>>
      %dma_start3A_47 = arith.constant 0 : i32
      %dma_start3A_48 = tpu.memref_slice %arg6[%add3A_18, %dma_start3A_47] : memref<10016x128xf32, #tpu.memory_space<vmem_shared>> -> memref<112x128xf32, #tpu.memory_space<vmem_shared>>
      %dma_start3A_49 = arith.constant 0 : i32
      %dma_start3A_50 = arith.constant 0 : i32
      %dma_start3A_51 = tpu.memref_slice %arg5[%dma_start3A_49, %dma_start3A_50] : memref<128x128xf32, #tpu.memory_space<vmem>> -> memref<112x128xf32, #tpu.memory_space<vmem>>
      tpu.enqueue_dma source(%dma_start3A_51 : memref<112x128xf32, #tpu.memory_space<vmem>>) target(%dma_start3A_48 : memref<112x128xf32, #tpu.memory_space<vmem_shared>>) target_semaphore(%run_scoped3A : memref<!tpu.dma_semaphore, #tpu.memory_space<semaphore_mem>>)
      %dma_wait3A = arith.constant 0 : i32
      %dma_wait3A_52 = arith.constant 0 : i32
      %dma_wait3A_53 = tpu.memref_slice %arg5[%dma_wait3A, %dma_wait3A_52] : memref<128x128xf32, #tpu.memory_space<vmem>> -> memref<112x128xf32, #tpu.memory_space<vmem>>
      %dma_wait3A_54 = arith.constant 0 : i32
      %dma_wait3A_55 = tpu.memref_slice %arg6[%add3A_18, %dma_wait3A_54] : memref<10016x128xf32, #tpu.memory_space<vmem_shared>> -> memref<112x128xf32, #tpu.memory_space<vmem_shared>>
      %dma_wait3A_56 = arith.constant 0 : i32
      %dma_wait3A_57 = tpu.memref_slice %arg6[%add3A_18, %dma_wait3A_56] : memref<10016x128xf32, #tpu.memory_space<vmem_shared>> -> memref<112x128xf32, #tpu.memory_space<vmem_shared>>
      %dma_wait3A_58 = arith.constant 0 : i32
      %dma_wait3A_59 = arith.constant 0 : i32
      %dma_wait3A_60 = tpu.memref_slice %arg5[%dma_wait3A_58, %dma_wait3A_59] : memref<128x128xf32, #tpu.memory_space<vmem>> -> memref<112x128xf32, #tpu.memory_space<vmem>>
      tpu.wait_dma2 semaphore(%run_scoped3A : memref<!tpu.dma_semaphore, #tpu.memory_space<semaphore_mem>>) src(%dma_wait3A_60 : memref<112x128xf32, #tpu.memory_space<vmem>>) dst(%dma_wait3A_57 : memref<112x128xf32, #tpu.memory_space<vmem_shared>>)
      tpu.yield
    }) : () -> ()
    %eq3A = arith.constant 15 : i32
    %eq3A_19 = arith.cmpi eq, %arg1, %eq3A : i32
    %convert_element_type3A = arith.extui %eq3A_19 : i1 to i32
    %cond3A = arith.constant 0 : i32
    %cond3A_20 = arith.cmpi ne, %convert_element_type3A, %cond3A : i32
    scf.if %cond3A_20 {
      "tpu.region"() ({
        %run_scoped3A = tpu.sem_alloc : memref<!tpu.dma_semaphore, #tpu.memory_space<semaphore_mem>>
        %dma_start3A = arith.constant 0 : i32
        %dma_start3A_43 = arith.constant 0 : i32
        %dma_start3A_44 = tpu.memref_slice %arg5[%dma_start3A, %dma_start3A_43] : memref<128x128xf32, #tpu.memory_space<vmem>> -> memref<32x128xf32, #tpu.memory_space<vmem>>
        %dma_start3A_45 = arith.constant 9984 : i32
        %dma_start3A_46 = arith.constant 0 : i32
        %dma_start3A_47 = tpu.memref_slice %arg6[%dma_start3A_45, %dma_start3A_46] : memref<10016x128xf32, #tpu.memory_space<vmem_shared>> -> memref<32x128xf32, #tpu.memory_space<vmem_shared>>
        %dma_start3A_48 = arith.constant 9984 : i32
        %dma_start3A_49 = arith.constant 0 : i32
        %dma_start3A_50 = tpu.memref_slice %arg6[%dma_start3A_48, %dma_start3A_49] : memref<10016x128xf32, #tpu.memory_space<vmem_shared>> -> memref<32x128xf32, #tpu.memory_space<vmem_shared>>
        %dma_start3A_51 = arith.constant 0 : i32
        %dma_start3A_52 = arith.constant 0 : i32
        %dma_start3A_53 = tpu.memref_slice %arg5[%dma_start3A_51, %dma_start3A_52] : memref<128x128xf32, #tpu.memory_space<vmem>> -> memref<32x128xf32, #tpu.memory_space<vmem>>
        tpu.enqueue_dma source(%dma_start3A_53 : memref<32x128xf32, #tpu.memory_space<vmem>>) target(%dma_start3A_50 : memref<32x128xf32, #tpu.memory_space<vmem_shared>>) target_semaphore(%run_scoped3A : memref<!tpu.dma_semaphore, #tpu.memory_space<semaphore_mem>>)
        %dma_wait3A = arith.constant 0 : i32
        %dma_wait3A_54 = arith.constant 0 : i32
        %dma_wait3A_55 = tpu.memref_slice %arg5[%dma_wait3A, %dma_wait3A_54] : memref<128x128xf32, #tpu.memory_space<vmem>> -> memref<32x128xf32, #tpu.memory_space<vmem>>
        %dma_wait3A_56 = arith.constant 9984 : i32
        %dma_wait3A_57 = arith.constant 0 : i32
        %dma_wait3A_58 = tpu.memref_slice %arg6[%dma_wait3A_56, %dma_wait3A_57] : memref<10016x128xf32, #tpu.memory_space<vmem_shared>> -> memref<32x128xf32, #tpu.memory_space<vmem_shared>>
        %dma_wait3A_59 = arith.constant 9984 : i32
        %dma_wait3A_60 = arith.constant 0 : i32
        %dma_wait3A_61 = tpu.memref_slice %arg6[%dma_wait3A_59, %dma_wait3A_60] : memref<10016x128xf32, #tpu.memory_space<vmem_shared>> -> memref<32x128xf32, #tpu.memory_space<vmem_shared>>
        %dma_wait3A_62 = arith.constant 0 : i32
        %dma_wait3A_63 = arith.constant 0 : i32
        %dma_wait3A_64 = tpu.memref_slice %arg5[%dma_wait3A_62, %dma_wait3A_63] : memref<128x128xf32, #tpu.memory_space<vmem>> -> memref<32x128xf32, #tpu.memory_space<vmem>>
        tpu.wait_dma2 semaphore(%run_scoped3A : memref<!tpu.dma_semaphore, #tpu.memory_space<semaphore_mem>>) src(%dma_wait3A_64 : memref<32x128xf32, #tpu.memory_space<vmem>>) dst(%dma_wait3A_61 : memref<32x128xf32, #tpu.memory_space<vmem_shared>>)
        tpu.yield
      }) : () -> ()
    } else {
    }
    %scan3A_21 = arith.constant 0 : i32
    %scan3A_22 = arith.constant 0 : i32
    %scan3A_23 = arith.constant 128 : i32
    %scan3A_24 = arith.addi %scan3A_22, %scan3A_23 : i32
    %scan3A_25 = arith.constant 1 : i32
    %scan3A_26 = scf.for %scan3A_43 = %scan3A_22 to %scan3A_24 step %scan3A_25 iter_args(%scan3A_44 = %scan3A_21) -> (i32)  : i32 {
      %broadcast_in_dim3A = arith.constant 1.000000e+00 : f32
      %broadcast_in_dim3A_45 = vector.broadcast %broadcast_in_dim3A : f32 to vector<16xf32>
      %swap3A = arith.index_cast %scan3A_43 : i32 to index
      %swap3A_46 = arith.constant 0 : index
      %swap3A_47 = tpu.vector_load %arg5[%swap3A, %swap3A_46] {strides = array<i32>} : memref<128x128xf32, #tpu.memory_space<vmem>>, vector<1x16xf32>,
      %swap3A_48 = vector.shape_cast %swap3A_47 : vector<1x16xf32> to vector<16xf32>
      %swap3A_49 = vector.shape_cast %broadcast_in_dim3A_45 : vector<16xf32> to vector<1x16xf32>
      tpu.vector_store %arg5[%swap3A, %swap3A_46], %swap3A_49 {strides = array<i32>} : memref<128x128xf32, #tpu.memory_space<vmem>>, vector<1x16xf32>,
      %broadcast_in_dim3A_50 = arith.constant 1.000000e+00 : f32
      %broadcast_in_dim3A_51 = vector.broadcast %broadcast_in_dim3A_50 : f32 to vector<16xf32>
      %swap3A_52 = arith.index_cast %scan3A_43 : i32 to index
      %swap3A_53 = arith.constant 16 : index
      %swap3A_54 = tpu.vector_load %arg5[%swap3A_52, %swap3A_53] {strides = array<i32>} : memref<128x128xf32, #tpu.memory_space<vmem>>, vector<1x16xf32>,
      %swap3A_55 = vector.shape_cast %swap3A_54 : vector<1x16xf32> to vector<16xf32>
      %swap3A_56 = vector.shape_cast %broadcast_in_dim3A_51 : vector<16xf32> to vector<1x16xf32>
      tpu.vector_store %arg5[%swap3A_52, %swap3A_53], %swap3A_56 {strides = array<i32>} : memref<128x128xf32, #tpu.memory_space<vmem>>, vector<1x16xf32>,
      %broadcast_in_dim3A_57 = arith.constant 1.000000e+00 : f32
      %broadcast_in_dim3A_58 = vector.broadcast %broadcast_in_dim3A_57 : f32 to vector<16xf32>
      %swap3A_59 = arith.index_cast %scan3A_43 : i32 to index
      %swap3A_60 = arith.constant 32 : index
      %swap3A_61 = tpu.vector_load %arg5[%swap3A_59, %swap3A_60] {strides = array<i32>} : memref<128x128xf32, #tpu.memory_space<vmem>>, vector<1x16xf32>,
      %swap3A_62 = vector.shape_cast %swap3A_61 : vector<1x16xf32> to vector<16xf32>
      %swap3A_63 = vector.shape_cast %broadcast_in_dim3A_58 : vector<16xf32> to vector<1x16xf32>
      tpu.vector_store %arg5[%swap3A_59, %swap3A_60], %swap3A_63 {strides = array<i32>} : memref<128x128xf32, #tpu.memory_space<vmem>>, vector<1x16xf32>,
      %broadcast_in_dim3A_64 = arith.constant 1.000000e+00 : f32
      %broadcast_in_dim3A_65 = vector.broadcast %broadcast_in_dim3A_64 : f32 to vector<16xf32>
      %swap3A_66 = arith.index_cast %scan3A_43 : i32 to index
      %swap3A_67 = arith.constant 48 : index
      %swap3A_68 = tpu.vector_load %arg5[%swap3A_66, %swap3A_67] {strides = array<i32>} : memref<128x128xf32, #tpu.memory_space<vmem>>, vector<1x16xf32>,
      %swap3A_69 = vector.shape_cast %swap3A_68 : vector<1x16xf32> to vector<16xf32>
      %swap3A_70 = vector.shape_cast %broadcast_in_dim3A_65 : vector<16xf32> to vector<1x16xf32>
      tpu.vector_store %arg5[%swap3A_66, %swap3A_67], %swap3A_70 {strides = array<i32>} : memref<128x128xf32, #tpu.memory_space<vmem>>, vector<1x16xf32>,
      %broadcast_in_dim3A_71 = arith.constant 1.000000e+00 : f32
      %broadcast_in_dim3A_72 = vector.broadcast %broadcast_in_dim3A_71 : f32 to vector<16xf32>
      %swap3A_73 = arith.index_cast %scan3A_43 : i32 to index
      %swap3A_74 = arith.constant 64 : index
      %swap3A_75 = tpu.vector_load %arg5[%swap3A_73, %swap3A_74] {strides = array<i32>} : memref<128x128xf32, #tpu.memory_space<vmem>>, vector<1x16xf32>,
      %swap3A_76 = vector.shape_cast %swap3A_75 : vector<1x16xf32> to vector<16xf32>
      %swap3A_77 = vector.shape_cast %broadcast_in_dim3A_72 : vector<16xf32> to vector<1x16xf32>
      tpu.vector_store %arg5[%swap3A_73, %swap3A_74], %swap3A_77 {strides = array<i32>} : memref<128x128xf32, #tpu.memory_space<vmem>>, vector<1x16xf32>,
      %broadcast_in_dim3A_78 = arith.constant 1.000000e+00 : f32
      %broadcast_in_dim3A_79 = vector.broadcast %broadcast_in_dim3A_78 : f32 to vector<16xf32>
      %swap3A_80 = arith.index_cast %scan3A_43 : i32 to index
      %swap3A_81 = arith.constant 80 : index
      %swap3A_82 = tpu.vector_load %arg5[%swap3A_80, %swap3A_81] {strides = array<i32>} : memref<128x128xf32, #tpu.memory_space<vmem>>, vector<1x16xf32>,
      %swap3A_83 = vector.shape_cast %swap3A_82 : vector<1x16xf32> to vector<16xf32>
      %swap3A_84 = vector.shape_cast %broadcast_in_dim3A_79 : vector<16xf32> to vector<1x16xf32>
      tpu.vector_store %arg5[%swap3A_80, %swap3A_81], %swap3A_84 {strides = array<i32>} : memref<128x128xf32, #tpu.memory_space<vmem>>, vector<1x16xf32>,
      %broadcast_in_dim3A_85 = arith.constant 1.000000e+00 : f32
      %broadcast_in_dim3A_86 = vector.broadcast %broadcast_in_dim3A_85 : f32 to vector<16xf32>
      %swap3A_87 = arith.index_cast %scan3A_43 : i32 to index
      %swap3A_88 = arith.constant 96 : index
      %swap3A_89 = tpu.vector_load %arg5[%swap3A_87, %swap3A_88] {strides = array<i32>} : memref<128x128xf32, #tpu.memory_space<vmem>>, vector<1x16xf32>,
      %swap3A_90 = vector.shape_cast %swap3A_89 : vector<1x16xf32> to vector<16xf32>
      %swap3A_91 = vector.shape_cast %broadcast_in_dim3A_86 : vector<16xf32> to vector<1x16xf32>
      tpu.vector_store %arg5[%swap3A_87, %swap3A_88], %swap3A_91 {strides = array<i32>} : memref<128x128xf32, #tpu.memory_space<vmem>>, vector<1x16xf32>,
      %broadcast_in_dim3A_92 = arith.constant 1.000000e+00 : f32
      %broadcast_in_dim3A_93 = vector.broadcast %broadcast_in_dim3A_92 : f32 to vector<16xf32>
      %swap3A_94 = arith.index_cast %scan3A_43 : i32 to index
      %swap3A_95 = arith.constant 112 : index
      %swap3A_96 = tpu.vector_load %arg5[%swap3A_94, %swap3A_95] {strides = array<i32>} : memref<128x128xf32, #tpu.memory_space<vmem>>, vector<1x16xf32>,
      %swap3A_97 = vector.shape_cast %swap3A_96 : vector<1x16xf32> to vector<16xf32>
      %swap3A_98 = vector.shape_cast %broadcast_in_dim3A_93 : vector<16xf32> to vector<1x16xf32>
      tpu.vector_store %arg5[%swap3A_94, %swap3A_95], %swap3A_98 {strides = array<i32>} : memref<128x128xf32, #tpu.memory_space<vmem>>, vector<1x16xf32>,
      %scan3A_99 = arith.constant 0 : i32
      scf.yield %scan3A_99 : i32
    }
    %scan3A_27 = arith.constant 128 : i32
    %mul3A_28 = arith.constant 80 : i32
    %mul3A_29 = arith.muli %add3A, %mul3A_28 : i32
    "tpu.region"() ({
      %run_scoped3A = tpu.sem_alloc : memref<!tpu.dma_semaphore, #tpu.memory_space<semaphore_mem>>
      %dma_start3A = arith.constant 0 : i32
      %dma_start3A_43 = tpu.memref_slice %arg2[%mul3A_29, %dma_start3A] : memref<2560x128xi32, #tpu.memory_space<hbm>> -> memref<80x128xi32, #tpu.memory_space<hbm>>
      %dma_start3A_44 = arith.constant 0 : i32
      %dma_start3A_45 = tpu.memref_slice %arg2[%mul3A_29, %dma_start3A_44] : memref<2560x128xi32, #tpu.memory_space<hbm>> -> memref<80x128xi32, #tpu.memory_space<hbm>>
      tpu.enqueue_dma source(%dma_start3A_45 : memref<80x128xi32, #tpu.memory_space<hbm>>) target(%arg4 : memref<80x128xi32, #tpu.memory_space<vmem>>) target_semaphore(%run_scoped3A : memref<!tpu.dma_semaphore, #tpu.memory_space<semaphore_mem>>)
      %dma_wait3A = arith.constant 0 : i32
      %dma_wait3A_46 = tpu.memref_slice %arg2[%mul3A_29, %dma_wait3A] : memref<2560x128xi32, #tpu.memory_space<hbm>> -> memref<80x128xi32, #tpu.memory_space<hbm>>
      %dma_wait3A_47 = arith.constant 0 : i32
      %dma_wait3A_48 = tpu.memref_slice %arg2[%mul3A_29, %dma_wait3A_47] : memref<2560x128xi32, #tpu.memory_space<hbm>> -> memref<80x128xi32, #tpu.memory_space<hbm>>
      tpu.wait_dma2 semaphore(%run_scoped3A : memref<!tpu.dma_semaphore, #tpu.memory_space<semaphore_mem>>) src(%dma_wait3A_48 : memref<80x128xi32, #tpu.memory_space<hbm>>) dst(%arg4 : memref<80x128xi32, #tpu.memory_space<vmem>>)
      tpu.yield
    }) : () -> ()
    %barrier3A = arith.constant 0 : index
    tpu.barrier barrier_id(%barrier3A)
    %scan3A_30 = arith.constant 0 : i32
    %scan3A_31 = arith.constant 0 : i32
    %scan3A_32 = arith.constant 80 : i32
    %scan3A_33 = arith.addi %scan3A_31, %scan3A_32 : i32
    %scan3A_34 = arith.constant 1 : i32
    %scan3A_35 = scf.for %scan3A_43 = %scan3A_31 to %scan3A_33 step %scan3A_34 iter_args(%scan3A_44 = %scan3A_30) -> (i32)  : i32 {
      "tpu.region"() ({
        %run_scoped3A = tpu.sem_alloc : memref<!tpu.dma_semaphore, #tpu.memory_space<semaphore_mem>>
        %dma_start3A = arith.constant 0 : i32
        %dma_start3A_46 = tpu.memref_slice %arg4[%scan3A_43, %dma_start3A] : memref<80x128xi32, #tpu.memory_space<vmem>> -> memref<1x128xi32, #tpu.memory_space<vmem>>
        %dma_start3A_47 = tpu.memref_squeeze %dma_start3A_46 : memref<1x128xi32, #tpu.memory_space<vmem>> -> memref<128xi32, #tpu.memory_space<vmem>>
        %dma_start3A_48 = arith.constant 0 : i32
        %dma_start3A_49 = arith.constant 0 : i32
        %dma_start3A_50 = tpu.memref_slice %arg6[%dma_start3A_48, %dma_start3A_49] : memref<10016x128xf32, #tpu.memory_space<vmem_shared>> -> memref<10016x128xf32, #tpu.memory_space<vmem_shared>>
        tpu.enqueue_indirect_dma source(%arg5 : memref<128x128xf32, #tpu.memory_space<vmem>>) target(%dma_start3A_50 : memref<10016x128xf32, #tpu.memory_space<vmem_shared>>) offsets(%dma_start3A_47 : memref<128xi32, #tpu.memory_space<vmem>>) semaphore(%run_scoped3A : memref<!tpu.dma_semaphore, #tpu.memory_space<semaphore_mem>>) {add = true}
        %dma_wait3A = arith.constant 0 : i32
        %dma_wait3A_51 = tpu.memref_slice %arg4[%scan3A_43, %dma_wait3A] : memref<80x128xi32, #tpu.memory_space<vmem>> -> memref<1x128xi32, #tpu.memory_space<vmem>>
        %dma_wait3A_52 = tpu.memref_squeeze %dma_wait3A_51 : memref<1x128xi32, #tpu.memory_space<vmem>> -> memref<128xi32, #tpu.memory_space<vmem>>
        %dma_wait3A_53 = arith.constant 0 : i32
        %dma_wait3A_54 = arith.constant 0 : i32
        %dma_wait3A_55 = tpu.memref_slice %arg6[%dma_wait3A_53, %dma_wait3A_54] : memref<10016x128xf32, #tpu.memory_space<vmem_shared>> -> memref<10016x128xf32, #tpu.memory_space<vmem_shared>>
        tpu.wait_indirect_dma semaphore(%run_scoped3A : memref<!tpu.dma_semaphore, #tpu.memory_space<semaphore_mem>>) src(%arg5 : memref<128x128xf32, #tpu.memory_space<vmem>>) dst(%dma_wait3A_55 : memref<10016x128xf32, #tpu.memory_space<vmem_shared>>)
        tpu.yield
      }) : () -> ()
      %scan3A_45 = arith.constant 0 : i32
      scf.yield %scan3A_45 : i32
    }
    %scan3A_36 = arith.constant 80 : i32
    %barrier3A_37 = arith.constant 0 : index
    tpu.barrier barrier_id(%barrier3A_37)
    "tpu.region"() ({
      %run_scoped3A = tpu.sem_alloc : memref<!tpu.dma_semaphore, #tpu.memory_space<semaphore_mem>>
      %dma_start3A = arith.constant 0 : i32
      %dma_start3A_43 = tpu.memref_slice %arg3[%arg0, %mul3A_8, %dma_start3A] : memref<2x10000x128xf32, #tpu.memory_space<hbm>> -> memref<1x624x128xf32, #tpu.memory_space<hbm>>
      %dma_start3A_44 = tpu.memref_squeeze %dma_start3A_43 : memref<1x624x128xf32, #tpu.memory_space<hbm>> -> memref<624x128xf32, #tpu.memory_space<hbm>>
      %dma_start3A_45 = arith.constant 0 : i32
      %dma_start3A_46 = tpu.memref_slice %arg6[%mul3A_8, %dma_start3A_45] : memref<10016x128xf32, #tpu.memory_space<vmem_shared>> -> memref<624x128xf32, #tpu.memory_space<vmem_shared>>
      tpu.enqueue_dma source(%dma_start3A_46 : memref<624x128xf32, #tpu.memory_space<vmem_shared>>) target(%dma_start3A_44 : memref<624x128xf32, #tpu.memory_space<hbm>>) target_semaphore(%run_scoped3A : memref<!tpu.dma_semaphore, #tpu.memory_space<semaphore_mem>>)
      %dma_wait3A = arith.constant 0 : i32
      %dma_wait3A_47 = tpu.memref_slice %arg3[%arg0, %mul3A_8, %dma_wait3A] : memref<2x10000x128xf32, #tpu.memory_space<hbm>> -> memref<1x624x128xf32, #tpu.memory_space<hbm>>
      %dma_wait3A_48 = tpu.memref_squeeze %dma_wait3A_47 : memref<1x624x128xf32, #tpu.memory_space<hbm>> -> memref<624x128xf32, #tpu.memory_space<hbm>>
      %dma_wait3A_49 = arith.constant 0 : i32
      %dma_wait3A_50 = tpu.memref_slice %arg6[%mul3A_8, %dma_wait3A_49] : memref<10016x128xf32, #tpu.memory_space<vmem_shared>> -> memref<624x128xf32, #tpu.memory_space<vmem_shared>>
      tpu.wait_dma2 semaphore(%run_scoped3A : memref<!tpu.dma_semaphore, #tpu.memory_space<semaphore_mem>>) src(%dma_wait3A_50 : memref<624x128xf32, #tpu.memory_space<vmem_shared>>) dst(%dma_wait3A_48 : memref<624x128xf32, #tpu.memory_space<hbm>>)
      tpu.yield
    }) : () -> ()
    %eq3A_38 = arith.constant 15 : i32
    %eq3A_39 = arith.cmpi eq, %arg1, %eq3A_38 : i32
    %convert_element_type3A_40 = arith.extui %eq3A_39 : i1 to i32
    %cond3A_41 = arith.constant 0 : i32
    %cond3A_42 = arith.cmpi ne, %convert_element_type3A_40, %cond3A_41 : i32
    scf.if %cond3A_42 {
      "tpu.region"() ({
        %run_scoped3A = tpu.sem_alloc : memref<!tpu.dma_semaphore, #tpu.memory_space<semaphore_mem>>
        %dma_start3A = arith.constant 9984 : i32
        %dma_start3A_43 = arith.constant 0 : i32
        %dma_start3A_44 = tpu.memref_slice %arg3[%arg0, %dma_start3A, %dma_start3A_43] : memref<2x10000x128xf32, #tpu.memory_space<hbm>> -> memref<1x16x128xf32, #tpu.memory_space<hbm>>
        %dma_start3A_45 = tpu.memref_squeeze %dma_start3A_44 : memref<1x16x128xf32, #tpu.memory_space<hbm>> -> memref<16x128xf32, #tpu.memory_space<hbm>>
        %dma_start3A_46 = arith.constant 9984 : i32
        %dma_start3A_47 = arith.constant 0 : i32
        %dma_start3A_48 = tpu.memref_slice %arg6[%dma_start3A_46, %dma_start3A_47] : memref<10016x128xf32, #tpu.memory_space<vmem_shared>> -> memref<16x128xf32, #tpu.memory_space<vmem_shared>>
        tpu.enqueue_dma source(%dma_start3A_48 : memref<16x128xf32, #tpu.memory_space<vmem_shared>>) target(%dma_start3A_45 : memref<16x128xf32, #tpu.memory_space<hbm>>) target_semaphore(%run_scoped3A : memref<!tpu.dma_semaphore, #tpu.memory_space<semaphore_mem>>)
        %dma_wait3A = arith.constant 9984 : i32
        %dma_wait3A_49 = arith.constant 0 : i32
        %dma_wait3A_50 = tpu.memref_slice %arg3[%arg0, %dma_wait3A, %dma_wait3A_49] : memref<2x10000x128xf32, #tpu.memory_space<hbm>> -> memref<1x16x128xf32, #tpu.memory_space<hbm>>
        %dma_wait3A_51 = tpu.memref_squeeze %dma_wait3A_50 : memref<1x16x128xf32, #tpu.memory_space<hbm>> -> memref<16x128xf32, #tpu.memory_space<hbm>>
        %dma_wait3A_52 = arith.constant 9984 : i32
        %dma_wait3A_53 = arith.constant 0 : i32
        %dma_wait3A_54 = tpu.memref_slice %arg6[%dma_wait3A_52, %dma_wait3A_53] : memref<10016x128xf32, #tpu.memory_space<vmem_shared>> -> memref<16x128xf32, #tpu.memory_space<vmem_shared>>
        tpu.wait_dma2 semaphore(%run_scoped3A : memref<!tpu.dma_semaphore, #tpu.memory_space<semaphore_mem>>) src(%dma_wait3A_54 : memref<16x128xf32, #tpu.memory_space<vmem_shared>>) dst(%dma_wait3A_51 : memref<16x128xf32, #tpu.memory_space<hbm>>)
        tpu.yield
      }) : () -> ()
    } else {
    }
    return
  }
}

module attributes {stable_mosaic.version = 14 : i64} {
  func.func @_enc_body(%arg0: memref<10000x128xf32, #tpu.memory_space<vmem>>, %arg1: memref<128x128xf32, #tpu.memory_space<vmem>>, %arg2: memref<1x128xf32, #tpu.memory_space<vmem>>, %arg3: memref<128x128xf32, #tpu.memory_space<vmem>>, %arg4: memref<1x128xf32, #tpu.memory_space<vmem>>, %arg5: memref<10000x128xf32, #tpu.memory_space<vmem>>) attributes {dimension_semantics = [], scalar_prefetch = 0 : i64, scratch_operands = 0 : i64, tpu.core_type = #tpu.core_type<tc>} {
    %get3A = arith.constant 0 : index
    %get3A_0 = arith.constant 0 : index
    %get3A_1 = vector.load %arg0[%get3A, %get3A_0] : memref<10000x128xf32, #tpu.memory_space<vmem>>, vector<10000x128xf32>
    %get3A_2 = arith.constant 0 : index
    %get3A_3 = arith.constant 0 : index
    %get3A_4 = vector.load %arg1[%get3A_2, %get3A_3] : memref<128x128xf32, #tpu.memory_space<vmem>>, vector<128x128xf32>
    %dot_general3A = arith.constant dense<0.000000e+00> : vector<10000x128xf32>
    %dot_general3A_5 = tpu.matmul %get3A_1, %get3A_4, %dot_general3A {dimension_numbers = #tpu.dot_dimension_numbers<[1], [0], [0], [1], [0, 0, 1, 1], [], []>, transpose_lhs_hint = false} : vector<10000x128xf32>, vector<128x128xf32>, vector<10000x128xf32> -> vector<10000x128xf32>
    %get3A_6 = arith.constant 0 : index
    %get3A_7 = arith.constant 0 : index
    %get3A_8 = vector.load %arg2[%get3A_6, %get3A_7] : memref<1x128xf32, #tpu.memory_space<vmem>>, vector<1x128xf32>
    %add3A = vector.broadcast %get3A_8 : vector<1x128xf32> to vector<10000x128xf32>
    %add3A_9 = arith.addf %dot_general3A_5, %add3A : vector<10000x128xf32>
    %max3A = arith.constant 0.000000e+00 : f32
    %max3A_10 = vector.broadcast %max3A : f32 to vector<10000x128xf32>
    %max3A_11 = arith.maximumf %add3A_9, %max3A_10 : vector<10000x128xf32>
    %get3A_12 = arith.constant 0 : index
    %get3A_13 = arith.constant 0 : index
    %get3A_14 = vector.load %arg3[%get3A_12, %get3A_13] : memref<128x128xf32, #tpu.memory_space<vmem>>, vector<128x128xf32>
    %dot_general3A_15 = arith.constant dense<0.000000e+00> : vector<10000x128xf32>
    %dot_general3A_16 = tpu.matmul %max3A_11, %get3A_14, %dot_general3A_15 {dimension_numbers = #tpu.dot_dimension_numbers<[1], [0], [0], [1], [0, 0, 1, 1], [], []>, transpose_lhs_hint = false} : vector<10000x128xf32>, vector<128x128xf32>, vector<10000x128xf32> -> vector<10000x128xf32>
    %get3A_17 = arith.constant 0 : index
    %get3A_18 = arith.constant 0 : index
    %get3A_19 = vector.load %arg4[%get3A_17, %get3A_18] : memref<1x128xf32, #tpu.memory_space<vmem>>, vector<1x128xf32>
    %add3A_20 = vector.broadcast %get3A_19 : vector<1x128xf32> to vector<10000x128xf32>
    %add3A_21 = arith.addf %dot_general3A_16, %add3A_20 : vector<10000x128xf32>
    %max3A_22 = arith.constant 0.000000e+00 : f32
    %max3A_23 = vector.broadcast %max3A_22 : f32 to vector<10000x128xf32>
    %max3A_24 = arith.maximumf %add3A_21, %max3A_23 : vector<10000x128xf32>
    %swap3A = arith.constant 0 : index
    %swap3A_25 = arith.constant 0 : index
    %swap3A_26 = vector.load %arg5[%swap3A, %swap3A_25] : memref<10000x128xf32, #tpu.memory_space<vmem>>, vector<10000x128xf32>
    tpu.vector_store %arg5[%swap3A, %swap3A_25], %max3A_24 {strides = array<i32>} : memref<10000x128xf32, #tpu.memory_space<vmem>>, vector<10000x128xf32>,
    return
  }
}

module attributes {stable_mosaic.version = 14 : i64} {
  func.func @_scale_body(%arg0: memref<2x10000x128xf32, #tpu.memory_space<vmem>>, %arg1: memref<10000x1xf32, #tpu.memory_space<vmem>>) attributes {dimension_semantics = [], scalar_prefetch = 0 : i64, scratch_operands = 0 : i64, tpu.core_type = #tpu.core_type<tc>} {
    %get3A = arith.constant 0 : index
    %get3A_0 = arith.constant 0 : index
    %get3A_1 = arith.constant 0 : index
    %get3A_2 = vector.load %arg0[%get3A, %get3A_0, %get3A_1] : memref<2x10000x128xf32, #tpu.memory_space<vmem>>, vector<1x10000x1xf32>
    %get3A_3 = vector.shape_cast %get3A_2 : vector<1x10000x1xf32> to vector<10000x1xf32>
    %get3A_4 = arith.constant 1 : index
    %get3A_5 = arith.constant 0 : index
    %get3A_6 = arith.constant 0 : index
    %get3A_7 = vector.load %arg0[%get3A_4, %get3A_5, %get3A_6] : memref<2x10000x128xf32, #tpu.memory_space<vmem>>, vector<1x10000x1xf32>
    %get3A_8 = vector.shape_cast %get3A_7 : vector<1x10000x1xf32> to vector<10000x1xf32>
    %add3A = arith.addf %get3A_3, %get3A_8 : vector<10000x1xf32>
    %max3A = arith.constant 1.000000e+00 : f32
    %max3A_9 = vector.broadcast %max3A : f32 to vector<10000x1xf32>
    %max3A_10 = arith.maximumf %add3A, %max3A_9 : vector<10000x1xf32>
    %div3A = arith.constant 1.000000e+00 : f32
    %div3A_11 = vector.broadcast %div3A : f32 to vector<10000x1xf32>
    %div3A_12 = arith.divf %div3A_11, %max3A_10 : vector<10000x1xf32>
    %swap3A = arith.constant 0 : index
    %swap3A_13 = arith.constant 0 : index
    %swap3A_14 = vector.load %arg1[%swap3A, %swap3A_13] : memref<10000x1xf32, #tpu.memory_space<vmem>>, vector<10000x1xf32>
    tpu.vector_store %arg1[%swap3A, %swap3A_13], %div3A_12 {strides = array<i32>} : memref<10000x1xf32, #tpu.memory_space<vmem>>, vector<10000x1xf32>,
    return
  }
}

module attributes {stable_mosaic.version = 14 : i64} {
  func.func @_upd_body(%arg0: memref<2x10000x128xf32, #tpu.memory_space<vmem>>, %arg1: memref<10000x1xf32, #tpu.memory_space<vmem>>, %arg2: memref<10000x128xf32, #tpu.memory_space<vmem>>, %arg3: memref<128x128xf32, #tpu.memory_space<vmem>>, %arg4: memref<1x128xf32, #tpu.memory_space<vmem>>, %arg5: memref<10000x128xf32, #tpu.memory_space<vmem>>) attributes {dimension_semantics = [], scalar_prefetch = 0 : i64, scratch_operands = 0 : i64, tpu.core_type = #tpu.core_type<tc>} {
    %get3A = arith.constant 0 : index
    %get3A_0 = arith.constant 0 : index
    %get3A_1 = arith.constant 0 : index
    %get3A_2 = vector.load %arg0[%get3A, %get3A_0, %get3A_1] : memref<2x10000x128xf32, #tpu.memory_space<vmem>>, vector<1x10000x128xf32>
    %get3A_3 = vector.shape_cast %get3A_2 : vector<1x10000x128xf32> to vector<10000x128xf32>
    %get3A_4 = arith.constant 1 : index
    %get3A_5 = arith.constant 0 : index
    %get3A_6 = arith.constant 0 : index
    %get3A_7 = vector.load %arg0[%get3A_4, %get3A_5, %get3A_6] : memref<2x10000x128xf32, #tpu.memory_space<vmem>>, vector<1x10000x128xf32>
    %get3A_8 = vector.shape_cast %get3A_7 : vector<1x10000x128xf32> to vector<10000x128xf32>
    %add3A = arith.addf %get3A_3, %get3A_8 : vector<10000x128xf32>
    %get3A_9 = arith.constant 0 : index
    %get3A_10 = arith.constant 0 : index
    %get3A_11 = vector.load %arg1[%get3A_9, %get3A_10] : memref<10000x1xf32, #tpu.memory_space<vmem>>, vector<10000x1xf32>
    %mul3A = vector.broadcast %get3A_11 : vector<10000x1xf32> to vector<10000x128xf32>
    %mul3A_12 = arith.mulf %add3A, %mul3A : vector<10000x128xf32>
    %get3A_13 = arith.constant 0 : index
    %get3A_14 = arith.constant 0 : index
    %get3A_15 = vector.load %arg3[%get3A_13, %get3A_14] : memref<128x128xf32, #tpu.memory_space<vmem>>, vector<128x128xf32>
    %dot_general3A = arith.constant dense<0.000000e+00> : vector<10000x128xf32>
    %dot_general3A_16 = tpu.matmul %mul3A_12, %get3A_15, %dot_general3A {dimension_numbers = #tpu.dot_dimension_numbers<[1], [0], [0], [1], [0, 0, 1, 1], [], []>, transpose_lhs_hint = false} : vector<10000x128xf32>, vector<128x128xf32>, vector<10000x128xf32> -> vector<10000x128xf32>
    %get3A_17 = arith.constant 0 : index
    %get3A_18 = arith.constant 0 : index
    %get3A_19 = vector.load %arg4[%get3A_17, %get3A_18] : memref<1x128xf32, #tpu.memory_space<vmem>>, vector<1x128xf32>
    %add3A_20 = vector.broadcast %get3A_19 : vector<1x128xf32> to vector<10000x128xf32>
    %add3A_21 = arith.addf %dot_general3A_16, %add3A_20 : vector<10000x128xf32>
    %get3A_22 = arith.constant 0 : index
    %get3A_23 = arith.constant 0 : index
    %get3A_24 = vector.load %arg2[%get3A_22, %get3A_23] : memref<10000x128xf32, #tpu.memory_space<vmem>>, vector<10000x128xf32>
    %add3A_25 = arith.addf %add3A_21, %get3A_24 : vector<10000x128xf32>
    %max3A = arith.constant 0.000000e+00 : f32
    %max3A_26 = vector.broadcast %max3A : f32 to vector<10000x128xf32>
    %max3A_27 = arith.maximumf %add3A_25, %max3A_26 : vector<10000x128xf32>
    %swap3A = arith.constant 0 : index
    %swap3A_28 = arith.constant 0 : index
    %swap3A_29 = vector.load %arg5[%swap3A, %swap3A_28] : memref<10000x128xf32, #tpu.memory_space<vmem>>, vector<10000x128xf32>
    tpu.vector_store %arg5[%swap3A, %swap3A_28], %max3A_27 {strides = array<i32>} : memref<10000x128xf32, #tpu.memory_space<vmem>>, vector<10000x128xf32>,
    return
  }
}

module attributes {stable_mosaic.version = 14 : i64} {
  func.func @_head_body(%arg0: memref<10000x128xf32, #tpu.memory_space<vmem>>, %arg1: memref<128x128xf32, #tpu.memory_space<vmem>>, %arg2: memref<1x128xf32, #tpu.memory_space<vmem>>, %arg3: memref<1x128xf32, #tpu.memory_space<vmem>>, %arg4: memref<1x1xf32, #tpu.memory_space<vmem>>, %arg5: memref<1x1xf32, #tpu.memory_space<vmem>>) attributes {dimension_semantics = [], scalar_prefetch = 0 : i64, scratch_operands = 0 : i64, tpu.core_type = #tpu.core_type<tc>} {
    %get3A = arith.constant 0 : index
    %get3A_0 = arith.constant 0 : index
    %get3A_1 = vector.load %arg0[%get3A, %get3A_0] : memref<10000x128xf32, #tpu.memory_space<vmem>>, vector<10000x128xf32>
    %reduce_sum3A = arith.constant dense<0.000000e+00> : vector<128xf32>
    %reduce_sum3A_2 = vector.multi_reduction <add>, %get3A_1, %reduce_sum3A [0] : vector<10000x128xf32> to vector<128xf32>
    %broadcast_in_dim3A = vector.shape_cast %reduce_sum3A_2 : vector<128xf32> to vector<1x128xf32>
    %div3A = arith.constant 1.000000e+04 : f32
    %div3A_3 = vector.broadcast %div3A : f32 to vector<1x128xf32>
    %div3A_4 = arith.divf %broadcast_in_dim3A, %div3A_3 : vector<1x128xf32>
    %get3A_5 = arith.constant 0 : index
    %get3A_6 = arith.constant 0 : index
    %get3A_7 = vector.load %arg1[%get3A_5, %get3A_6] : memref<128x128xf32, #tpu.memory_space<vmem>>, vector<128x128xf32>
    %dot_general3A = arith.constant dense<0.000000e+00> : vector<1x128xf32>
    %dot_general3A_8 = tpu.matmul %div3A_4, %get3A_7, %dot_general3A {dimension_numbers = #tpu.dot_dimension_numbers<[1], [0], [0], [1], [0, 0, 1, 1], [], []>, transpose_lhs_hint = false} : vector<1x128xf32>, vector<128x128xf32>, vector<1x128xf32> -> vector<1x128xf32>
    %get3A_9 = arith.constant 0 : index
    %get3A_10 = arith.constant 0 : index
    %get3A_11 = vector.load %arg2[%get3A_9, %get3A_10] : memref<1x128xf32, #tpu.memory_space<vmem>>, vector<1x128xf32>
    %add3A = arith.addf %dot_general3A_8, %get3A_11 : vector<1x128xf32>
    %max3A = arith.constant 0.000000e+00 : f32
    %max3A_12 = vector.broadcast %max3A : f32 to vector<1x128xf32>
    %max3A_13 = arith.maximumf %add3A, %max3A_12 : vector<1x128xf32>
    %get3A_14 = arith.constant 0 : index
    %get3A_15 = arith.constant 0 : index
    %get3A_16 = vector.load %arg3[%get3A_14, %get3A_15] : memref<1x128xf32, #tpu.memory_space<vmem>>, vector<1x128xf32>
    %mul3A = arith.mulf %max3A_13, %get3A_16 : vector<1x128xf32>
    %reduce_sum3A_17 = arith.constant dense<0.000000e+00> : vector<1xf32>
    %reduce_sum3A_18 = vector.multi_reduction <add>, %mul3A, %reduce_sum3A_17 [1] : vector<1x128xf32> to vector<1xf32>
    %broadcast_in_dim3A_19 = vector.shape_cast %reduce_sum3A_18 : vector<1xf32> to vector<1x1xf32>
    %get3A_20 = arith.constant 0 : index
    %get3A_21 = arith.constant 0 : index
    %get3A_22 = vector.load %arg4[%get3A_20, %get3A_21] : memref<1x1xf32, #tpu.memory_space<vmem>>, vector<1x1xf32>
    %add3A_23 = arith.addf %broadcast_in_dim3A_19, %get3A_22 : vector<1x1xf32>
    %swap3A = arith.constant 0 : index
    %swap3A_24 = arith.constant 0 : index
    %swap3A_25 = vector.load %arg5[%swap3A, %swap3A_24] : memref<1x1xf32, #tpu.memory_space<vmem>>, vector<1x1xf32>
    tpu.vector_store %arg5[%swap3A, %swap3A_24], %add3A_23 {strides = array<i32>} : memref<1x1xf32, #tpu.memory_space<vmem>>, vector<1x1xf32>,
    return
  }
}

</mosaic_0001>

<sc_bundles>
// kernel: conv_sc.5.cloned.1.call-start
scs
__scs_entry_jumppad:
0x0: {  	(pc) =	sbr.rel $0x88, $3  }
0x1: {  	(tag) =	ssettag $0x0;
	lr =	simm.s32 $0x1  }
0x2: {  	[smem:$0x3F91] =	sst lr;
	_ =	strace $0xD0000000  }
0x3: {  	_ = 	snop  }
0x4: {  	_ = 	snop  }
0x5: {  	_ = 	snop  }
0x6: {  	_ = 	snop  }
0x7: {  	_ = 	snop  }
__scs_overlays_trampoline_lowered:
0x8: {  	[smem:$0x3FA0] =	sst s0  }
0x9: {  	[smem:$0x3FA1] =	sst s1  }
0xa: {  	[smem:$0x3FA2] =	sst s2  }
0xb: {  	[smem:$0x3FA3] =	sst s3  }
0xc: {  	[smem:$0x3FA4] =	sst s4  }
0xd: {  	[smem:$0x3FA5] =	sst s5  }
0xe: {  	[smem:$0x3FA6] =	sst s6  }
0xf: {  	[smem:$0x3FA7] =	sst s7  }
0x10: {  	[smem:$0x3FA8] =	sst s8  }
0x11: {  	[smem:$0x3FA9] =	sst s9;
	s0 =	simm.s32 @!p0 $0x0  }
0x12: {  	s1 =	sld [smem:$0x3F8F];
	s0 =	simm.s32 @p0 $0x1  }
0x13: {  	[smem:$0x3FAA] =	sst s0;
	s0 =	simm.s32 @!p1 $0x0  }
0x14: {  	s2 =	sld [smem:$0x3F8E];
	s0 =	simm.s32 @p1 $0x1  }
0x15: {  	[smem:$0x3FAB] =	sst s0;
	s0 =	simm.s32 @!p2 $0x0  }
0x16: {  	s3 =	sld [smem:$0x3FDB];
	s0 =	simm.s32 @p2 $0x1  }
0x17: {  	s4 =	simm.s32 $0x1BF5;
	[smem:$0x3FAD] =	sst s0  }
0x18: {  	s0 =	sld [smem:$0x3F90];
	_ =	swait.ge [sflag:s4], $0x0  }
0x19: {  	s7 =	sld [smem:$0x3F91]  }
0x1a: {  	s8 =	sadd.s32 $0xFFFFE003, lr  }
0x1b: {  	s9 =	sadd.s32 $0xFFFFFEF7, lr;
	s5 =	simm.s32 $0xFFFFFFFF;
	p2 =	slt.u32 s8, $0xFFFFF086  }
0x1c: {  	p1 =	slt.u32 s9, $0xF7A;
	s5 =	simm.s32 @!p2 $0x0  }
0x1d: {  	s5 =	simm.s32 @p1 $0x1;
	p0 =	seq.s32 s7, s2  }
0x1e: {  	s7 =	smul.u32 @!p0 $0xF7A, s2;
	p2 =	seq.s32 @!p0 s5, $0x0  }
0x1f: {  	s9 =	smul.u32 $0xF7A, s1;
	s8 =	simm.s32 @!p0 $0x1BF5;
	p2 =	por !p2, p0  }
0x20: {  	[sflag:s8] =	ssyncset.s32 @!p0 $0xFFFFF086;
	s6 =	sadd.s32 @!p0 s3, s7;
	s7 =	simm.s32 @!p0 $0x108  }
0x21: {  	s3 =	sadd.s32 s3, s9;
	s6 =	sadd.s32 @!p0 $0x88, s6;
	s7 =	simm.s32 @p2 $0x1082  }
0x22: {  	[simem:s7], [sflag:s8] =	dma.local @!p0 [hbm:s6], $0xF7A  }
0x23: {  	s9 =	sor.u32 $0xD0000000, s2;
	s6 =	simm.s32 $0x108;
	_ =	swait.ge @!p0 [sflag:s8], $0x0  }
0x24: {  	s3 =	sadd.s32 $0x88, s3;
	s6 =	simm.s32 @!p1 $0x1082;
	[sflag:s4] =	ssyncset.s32 $0xFFFFF086  }
0x25: {  	[simem:s6], [sflag:s4] =	dma.local [hbm:s3], $0xF7A  }
0x26: {  	[smem:$0x3F91] =	sst s1;
	(tag) =	ssettag s2;
	_ =	strace s9  }
0x27: {  	s1 =	sld [smem:$0x3FA1]  }
0x28: {  	s2 =	sld [smem:$0x3FA2]  }
0x29: {  	s4 =	sld [smem:$0x3FA4]  }
0x2a: {  	p0 =	seq.s32 s5, $0x0;
	s5 =	sld [smem:$0x3FA5]  }
0x2b: {  	s6 =	sld [smem:$0x3FA6]  }
0x2c: {  	s7 =	sld [smem:$0x3FA7]  }
0x2d: {  	s3 =	simm.s32 $0x108;
	s8 =	sld [smem:$0x3FA8]  }
0x2e: {  	s3 =	simm.s32 @!p0 $0x1082;
	s9 =	sld [smem:$0x3FA9]  }
0x2f: {  	lr =	sadd.s32 s0, s3;
	s0 =	sld [smem:$0x3FA0]  }
0x30: {  	s3 =	sld [smem:$0x3FA3]  }
0x31: {  	[smem:$0x3FAC] =	sst s10  }
0x32: {  	s10 =	sld [smem:$0x3FAA];
	_ =	sdelay $0x3  }
0x33: {  	p0 =	seq.s32 s10, $0x1;
	s10 =	sld [smem:$0x3FAC];
	_ =	sdelay $0x3  }
0x34: {  	[smem:$0x3FAC] =	sst s10  }
0x35: {  	s10 =	sld [smem:$0x3FAB];
	_ =	sdelay $0x3  }
0x36: {  	p1 =	seq.s32 s10, $0x1;
	s10 =	sld [smem:$0x3FAC];
	_ =	sdelay $0x3  }
0x37: {  	[smem:$0x3FAC] =	sst s10  }
0x38: {  	s10 =	sld [smem:$0x3FAD]  }
0x39: {  	_ = 	snop;
	(pc) =	sbr.ind lr, $3  }
0x3a: {  	_ = 	snop  }
0x3b: {  	_ = 	snop  }
0x3c: {  	p2 =	seq.s32 s10, $0x1;
	s10 =	sld [smem:$0x3FAC]  }
0x3d: {  	_ =	shalt  }
0x3e: {  	_ =	shalt  }
0x3f: {  	_ =	shalt  }
0x40: {  	_ =	shalt  }
0x41: {  	_ =	shalt  }
0x42: {  	_ =	shalt  }
0x43: {  	_ =	shalt  }
0x44: {  	_ =	shalt  }
0x45: {  	_ =	shalt  }
0x46: {  	_ =	shalt  }
0x47: {  	_ =	shalt  }
0x48: {  	_ =	shalt  }
0x49: {  	_ =	shalt  }
0x4a: {  	_ =	shalt  }
0x4b: {  	_ =	shalt  }
0x4c: {  	_ =	shalt  }
0x4d: {  	_ =	shalt  }
0x4e: {  	_ =	shalt  }
0x4f: {  	_ =	shalt  }
0x50: {  	_ =	shalt  }
0x51: {  	_ =	shalt  }
0x52: {  	_ =	shalt  }
0x53: {  	_ =	shalt  }
0x54: {  	_ =	shalt  }
0x55: {  	_ =	shalt  }
0x56: {  	_ =	shalt  }
0x57: {  	_ =	shalt  }
0x58: {  	_ =	shalt  }
0x59: {  	_ =	shalt  }
0x5a: {  	_ =	shalt  }
0x5b: {  	_ =	shalt  }
0x5c: {  	_ =	shalt  }
0x5d: {  	_ =	shalt  }
0x5e: {  	_ =	shalt  }
0x5f: {  	_ =	shalt  }
0x60: {  	_ =	shalt  }
0x61: {  	_ =	shalt  }
0x62: {  	_ =	shalt  }
0x63: {  	_ =	shalt  }
0x64: {  	_ =	shalt  }
0x65: {  	_ =	shalt  }
0x66: {  	_ =	shalt  }
0x67: {  	_ =	shalt  }
0x68: {  	_ =	shalt  }
0x69: {  	_ =	shalt  }
0x6a: {  	_ =	shalt  }
0x6b: {  	_ =	shalt  }
0x6c: {  	_ =	shalt  }
0x6d: {  	_ =	shalt  }
0x6e: {  	_ =	shalt  }
0x6f: {  	_ =	shalt  }
0x70: {  	_ =	shalt  }
0x71: {  	_ =	shalt  }
0x72: {  	_ =	shalt  }
0x73: {  	_ =	shalt  }
0x74: {  	_ =	shalt  }
0x75: {  	_ =	shalt  }
0x76: {  	_ =	shalt  }
0x77: {  	_ =	shalt  }
0x78: {  	_ =	shalt  }
0x79: {  	_ =	shalt  }
0x7a: {  	_ =	shalt  }
0x7b: {  	_ =	shalt  }
0x7c: {  	_ =	shalt  }
0x7d: {  	_ =	shalt  }
0x7e: {  	_ =	shalt  }
0x7f: {  	_ =	shalt  }
0x80: {  	_ =	shalt  }
0x81: {  	_ =	shalt  }
0x82: {  	_ =	shalt  }
0x83: {  	_ =	shalt  }
0x84: {  	_ =	shalt  }
0x85: {  	_ =	shalt  }
0x86: {  	_ =	shalt  }
0x87: {  	_ =	shalt  }
.Lfunc_end0:
.L_simem_size_0:
called_computation_lowered:
.L_overlay_start_0:
0x88: {  	s2 =	sld [smem:$0x3FD9]  }
0x89: {  	s3 =	sld [smem:$0x3FFE];
	_ =	sdelay $0x1  }
0x8a: {  	s1 =	srdreg.scid  }
0x8b: {  	s0 =	sand.u32 $0x1, s1  }
0x8c: {  	s16 =	sshll.u32 s0, $0xA;
	s2 =	sadd.s32 s3, s2  }
0x8d: {  	s2 =	sadd.s32 s2, s16  }
0x8e: {  	[smem:$0x3FB8] =	sst s2  }
0x8f: {  	_ = 	snop  }
0x90: {  	(tm) =	ssettm $0x1  }
0x91: {  	s17 =	sld [smem:$0x3FFB];
	_ =	sdelay $0x3  }
0x92: {  	_ =	strace s17  }
0x93: {  	s2 =	sld [smem:$0x3FFC];
	_ =	sdelay $0x3  }
0x94: {  	_ =	strace s2  }
0x95: {  	s2 =	sld [smem:$0x3FFD];
	_ =	sdelay $0x3  }
0x96: {  	_ =	strace s2  }
0x97: {  	_ =	strace $0x8FFFFFFF  }
0x98: {  	s18 =	sld [smem:$0x3FDB];
	_ =	sdelay $0x1  }
0x99: {  	s19 =	simm.s32 $_scs_section_size  }
0x9a: {  	s4 =	simm.s32 $_size__tile_overlayer_lowered;
	s5 =	simm.s32 $_tile_overlayer_lowered  }
0x9b: {  	s22 =	simm.s32 $0x1BFF;
	s21 =	sshll.u32 s5, $0x1;
	s2 =	sadd.s32 s19, s18  }
0x9c: {  	s6 =	simm.s32 $0x0;
	s20 =	sshll.u32 s4, $0x1;
	s4 =	sadd.s32 s21, s2  }
0x9d: {  	[timem:s6], [sflag:s22] =	dma.local [hbm:s4], s20  }
0x9e: {  	_ =	swait.ge [sflag:s22], s20  }
0x9f: {  	s3 =	ssub.s32 $0x0, s20;
	[sflag:s22] =	ssyncset.done $0x0  }
0xa0: {  	[sflag:s22] =	ssyncadd.s32 s3;
	_ =	sdelay $0x1  }
0xa1: {  	s23 =	simm.s32 $0x1B8B  }
0xa2: {  	_ =	swait.ge [sflag:s23], $0x1  }
0xa3: {  	[sflag:s23] =	ssyncset.done $0x0  }
0xa4: {  	s25 =	simm.s32 $0x1B8E;
	s24 =	sld [smem:$0x3FFE];
	[sflag:s23] =	ssyncadd.s32 $0xFFFFFFFF  }
0xa5: {  	s26 =	simm.s32 $execute0_lowered;
	[smem:$0x3FD2] =	sst s25  }
0xa6: {  	s4 =	sshll.u32 s26, $0x1;
	_ =	strace $0x80000049;
	[dreg:$0x1] =	wrdreg $0xFFFFFFFF  }
0xa7: {  	s28 =	simm.s32 $_size_execute0_lowered;
	s2 =	sadd.s32 s2, s4;
	[dreg:$0x0] =	wrdreg $0x0  }
0xa8: {  	s4 =	sshll.u32 s28, $0x1;
	[dreg:$0x2] =	wrdreg s2  }
0xa9: {  	[dreg:$0x3] =	wrdreg s4  }
0xaa: {  	[dreg:$0x4] =	wrdreg $0xC0  }
0xab: {  	_ =	task [dreg:s6], $0x5FFFF  }
0xac: {  	[dreg:$0x1] =	wrdreg $0xFFFFFFFF  }
0xad: {  	[dreg:$0x0] =	wrdreg $0x60  }
0xae: {  	[dreg:$0x2] =	wrdreg s24  }
0xaf: {  	[dreg:$0x3] =	wrdreg $0xC0000  }
0xb0: {  	[dreg:$0x4] =	wrdreg $0x9  }
0xb1: {  	_ =	task.clear_ibuf [dreg:s6], $0x5FFFF;
	_ =	strace $0x90000049  }
0xb2: {  	s29 =	simm.s32 $0x9;
	_ =	strace $0x8000004B  }
0xb3: {  	_ =	swait.ge [sflag:s29], $0x1  }
0xb4: {  	[sflag:s29] =	ssyncadd.s32 $0xFFFFFFFF  }
0xb5: {  	_ =	strace $0x9000004B  }
0xb6: {  	_ =	sfence  }
0xb7: {  	s30 =	sld [smem:$0x0];
	_ =	sdelay $0x2  }
0xb8: {  	s31 =	sshll.u32 s1, $0xD;
	s1 =	sshrl.u32 s1, $0x2  }
0xb9: {  	s3 =	sand.u32 $0x4000, s31;
	s1 =	sadd.s32 s1, s30  }
0xba: {  	s0 =	sor.u32 s3, s0;
	s1 =	sshll.u32 s1, $0x11  }
0xbb: {  	s0 =	sor.u32 s1, s0  }
0xbc: {  	s0 =	sadd.s32 $0x8F2B, s0  }
0xbd: {  	[sflag:s0] =	ssyncadd.remote.s32 $0x1  }
0xbe: {  	_ =	sfence.sel $0xFFFF  }
0xbf: {  	[dreg:$0x0] =	wrdreg $0xFFFFFFFF;
	(pc) =	sbr.abs _section_cstart, $3  }
0xc0: {  	[dreg:$0x1] =	wrdreg $0xFFFFFFFF  }
0xc1: {  	_ =	task.clear_ibuf [dreg:s6], $0x2FFFF;
	_ =	strace $0x9FFFFFFF  }
0xc2: {  	(tm) =	ssettm $0x7FFFFFFF  }
0xc3: {  	_ =	shalt  }
tec
execute0_lowered:
.L_overlay_start_1:
0x0: {  	(tag) =	ssettag $0x1  }
0x1: {  	s0 =	rddreg [dreg:$0x0]  }
0x2: {  	s1 =	rddreg [dreg:$0x1];
	s2 =	simm.s32 $0x0  }
0x3: {  	s3 =	srdreg.scid;
	s22 =	stileid.u32;
	s15 =	simm.s32 $0x78  }
0x4: {  	s28 =	simm.s32 $0x1;
	s29 =	simm.s32 $0x2;
	s30 =	simm.s32 $0x0  }
0x5: {  	[smem:$0x7FF] =	sst s2;
	s4 =	sadd.s32 $0x21E00, s0;
	s6 =	sadd.s32 $0x3A00, s0  }
0x6: {  	s3 =	sand.u32 $0x1, s3;
	s5 =	smul.u32 $0x4E000, s22;
	s7 =	sadd.s32 $0x12C00, s0  }
0x7: {  	s0 =	sadd.s32 $0x5BE00, s0;
	s17 =	smul.u32 $0x13800, s22;
	_ =	strace $0x8000004A  }
0x8: {  	s8 =	ssub.s32 $0x2, s3;
	s10 =	sshll.u32 s3, $0x4;
	p0 =	seq.s32 s3, $0x0  }
0x9: {  	s3 =	smul.u32 $0x138800, s3;
	s9 =	sshrl.u32 s8, $0x1;
	s5 =	sshrl.u32 s5, $0x2  }
0xa: {  	s11 =	sor.u32 s22, s10;
	s10 =	sadd.s32 $0x138000, s1;
	s15 =	simm.s32 @!p0 $0x28  }
0xb: {  	p0 =	sne.s32 s22, $0xF;
	s22 =	simm.s32 $0x4000;
	s12 =	smul.u32 $0x780, s11  }
0xc: {  	s19 =	ssub.s32 s8, s9;
	s5 =	sadd.s32 s5, s1;
	s13 =	smul.u32 $0x3C00, s11  }
0xd: {  	s14 =	smin.u32 s15, $0x40;
	s24 =	smax.u32 s15, $0x40;
	s26 =	sadd.s32 s17, s3  }
0xe: {  	s3 =	sshrl.u32 s3, $0x3;
	s20 =	sadd.s32 $0x4000, s5;
	s21 =	sadd.s32 $0x8000, s5  }
0xf: {  	s23 =	sadd.s32 $0xC000, s5;
	s9 =	sadd.s32 $0x10000, s5;
	[dreg:$0x3] =	wrdreg s20  }
0x10: {  	s25 =	sadd.s32 $0xFFFFFFC0, s24;
	s17 =	sshrl.u32 s26, $0x3;
	[dreg:$0x4] =	wrdreg s21  }
0x11: {  	s19 =	smax.u32 s19, $0x1;
	s26 =	simm.s32 $0x8000;
	[dreg:$0x5] =	wrdreg s23  }
0x12: {  	s11 =	sadd.s32 s6, s12;
	s12 =	sadd.s32 s7, s12;
	s13 =	sshrl.u32 s13, $0x3  }
0x13: {  	s20 =	sshrl.u32 s14, $0x1;
	s21 =	sshrl.u32 s25, $0x1;
	s17 =	sadd.s32 s0, s17  }
.Ltmp0:
0x14: {  	s0 =	sadd.s32 s0, s3;
	s23 =	simm.s32 $0x3;
	(pc) =	sbr.rel .LBB2_1-.Ltmp0, $4  }
0x15: {  	p1 =	seq.s32 s25, $0x0;
	s25 =	simm.s32 $0x80;
	s16 =	sadd.s32 $0x400, s13  }
0x16: {  	s13 =	sadd.s32 $0xFFFFFFFF, s14;
	s18 =	sadd.s32 $0x27000, s0;
	s31 =	smax.u32 s21, $0x1  }
0x17: {  	s20 =	sadd.s32 $0xFFFFFFFF, s20;
	s14 =	sadd.s32 s6, s16;
	s15 =	sadd.s32 s7, s16  }
0x18: {  	v0 =	vimm.f32 $0.0e+00;
	s16 =	sadd.s32 $0xFFFFFFBF, s24;
	s21 =	sshll.u32 s31, $0x1;
	s24 =	simm.s32 $0x2000  }
.LBB2_8:
0x19: {  	[sflag:s23] =	ssyncadd.s32 $0xFFFFC000  }
0x1a: {  	_ =	swait.ge [sflag:s28], $0x4000  }
0x1b: {  	[sflag:s28] =	ssyncset.done $0x0  }
0x1c: {  	[sflag:s28] =	ssyncadd.s32 $0xFFFFC000  }
.LBB2_9:
0x1d: {  	s0 =	stileid.u32  }
0x1e: {  	s0 =	sshll.u32 s0, $0x6  }
0x1f: {  	[bflag:$0x0] =	sbarrier.arrive $0xFFFF;
	s3 =	sshrl.u32 s5, $0x3;
	s0 =	sor.u32 $0x1C03, s0  }
0x20: {  	[hbm:s17], [sflag:s0] =	dma.local [spmem:s3], $0x2700  }
0x21: {  	_ =	swait.ge [sflag:s23], $0x2700  }
0x22: {  	s30 =	sadd.s32 $0x1, s30;
	[sflag:s23] =	ssyncset.done $0x0  }
0x23: {  	p2 =	sne.s32 s30, s19;
	s3 =	sshrl.u32 @!p0 s10, $0x3;
	[sflag:s23] =	ssyncadd.s32 $0xFFFFD900  }
0x24: {  	[hbm:s18], [sflag:s0] =	dma.local @!p0 [spmem:s3], $0x100  }
.Ltmp1:
0x25: {  	_ = 	snop;
	(pc) =	sbr.rel @!p2 .LBB2_10-.Ltmp1, $4  }
0x26: {  	s0 =	simm.s32 @!p0 $0x3  }
0x27: {  	_ =	swait.ge @!p0 [sflag:s0], $0x100  }
0x28: {  	[sflag:s0] =	ssyncset.done @!p0 $0x0  }
0x29: {  	[sflag:s0] =	ssyncadd.s32 @!p0 $0xFFFFFF00  }
.LBB2_1:
0x2a: {  	s0 =	simm.s32 $0x0;
	s3 =	simm.s32 $0x200  }
.LBB2_2:
0x2b: {  	p2 =	sne.s32 s3, $0xFE00;
	[tilespmem:s0+$0x4070] =	vst v0  }
0x2c: {  	[tilespmem:s0+$0x4000] =	vst v0  }
0x2d: {  	[tilespmem:s0+$0x4010] =	vst v0  }
.Ltmp2:
0x2e: {  	[tilespmem:s0+$0x4020] =	vst v0;
	(pc) =	sbr.rel @p2 .LBB2_2-.Ltmp2, $4  }
0x2f: {  	[tilespmem:s0+$0x4030] =	vst v0  }
0x30: {  	[tilespmem:s0+$0x4040] =	vst v0  }
0x31: {  	[tilespmem:s0+$0x4050] =	vst v0  }
0x32: {  	[tilespmem:s0+$0x4060] =	vst v0;
	s0 =	sshra.s32 s3, $0x2;
	s3 =	sadd.s32 $0x200, s3  }
0x33: {  	[tilespmem:s0+$0x4070] =	vst v0  }
0x34: {  	[tilespmem:s0+$0x4000] =	vst v0  }
0x35: {  	[tilespmem:s0+$0x4010] =	vst v0  }
0x36: {  	[tilespmem:s0+$0x4020] =	vst v0  }
0x37: {  	[tilespmem:s0+$0x4030] =	vst v0  }
0x38: {  	[tilespmem:s0+$0x4040] =	vst v0  }
0x39: {  	[tilespmem:s0+$0x4050] =	vst v0  }
0x3a: {  	[tilespmem:s0+$0x4060] =	vst v0  }
0x3b: {  	[spmem:s5] =	stream.linear.scatter [tilespmem:s22], [sflag:$0x3], $0x4000, $0x38;
	[tilespmem:$0x1F900] =	vst v63  }
0x3c: {  	_ =	swait.ge [sflag:s23], $0x4000  }
0x3d: {  	[sflag:s23] =	ssyncset.done $0x0  }
0x3e: {  	s8 =	rddreg [dreg:$0x3];
	[sflag:s23] =	ssyncadd.s32 $0xFFFFC000  }
0x3f: {  	[spmem:s8] =	stream.linear.scatter [tilespmem:s22], [sflag:$0x3], $0x4000, $0x38;
	[tilespmem:$0x1F900] =	vst v63  }
0x40: {  	_ =	swait.ge [sflag:s23], $0x4000  }
0x41: {  	[sflag:s23] =	ssyncset.done $0x0  }
0x42: {  	s3 =	rddreg [dreg:$0x4];
	[sflag:s23] =	ssyncadd.s32 $0xFFFFC000  }
0x43: {  	[spmem:s3] =	stream.linear.scatter [tilespmem:s22], [sflag:$0x3], $0x4000, $0x38;
	[tilespmem:$0x1F900] =	vst v63  }
0x44: {  	_ =	swait.ge [sflag:s23], $0x4000  }
0x45: {  	[sflag:s23] =	ssyncset.done $0x0  }
0x46: {  	s6 =	rddreg [dreg:$0x5];
	[sflag:s23] =	ssyncadd.s32 $0xFFFFC000  }
0x47: {  	[spmem:s6] =	stream.linear.scatter [tilespmem:s22], [sflag:$0x3], $0x4000, $0x38;
	[tilespmem:$0x1F900] =	vst v63  }
0x48: {  	_ =	swait.ge [sflag:s23], $0x4000  }
0x49: {  	[sflag:s23] =	ssyncset.done $0x0  }
0x4a: {  	[sflag:s23] =	ssyncadd.s32 $0xFFFFC000  }
0x4b: {  	[spmem:s9] =	stream.linear.scatter [tilespmem:s22], [sflag:$0x3], $0x3800, $0x38;
	[tilespmem:$0x1F900] =	vst v63  }
0x4c: {  	_ =	swait.ge [sflag:s23], $0x3800  }
0x4d: {  	[sflag:s23] =	ssyncset.done $0x0  }
0x4e: {  	s0 =	simm.s32 @!p0 $0x4000;
	[sflag:s23] =	ssyncadd.s32 $0xFFFFC800  }
0x4f: {  	[spmem:s10] =	stream.linear.scatter @!p0 [tilespmem:s0], [sflag:$0x3], $0x1000, $0x38;
	[tilespmem:$0x1F900] =	vst v63  }
0x50: {  	s0 =	simm.s32 @!p0 $0x3  }
0x51: {  	_ =	swait.ge @!p0 [sflag:s0], $0x1000  }
0x52: {  	[sflag:s0] =	ssyncset.done @!p0 $0x0  }
0x53: {  	[sflag:s0] =	ssyncadd.s32 @!p0 $0xFFFFF000  }
0x54: {  	[bflag:$0x0] =	sbarrier.arrive $0xFFFF  }
0x55: {  	[tilespmem:s2], [sflag:$0x3] =	stream.linear.gather [hbm4b:s11+s2], $0x2000, $0x38;
	[tilespmem:$0x1F900] =	vst v63  }
0x56: {  	_ =	swait.ge [sflag:s23], $0x2000  }
0x57: {  	[sflag:s23] =	ssyncset.done $0x0  }
0x58: {  	[sflag:s23] =	ssyncadd.s32 $0xFFFFE000  }
0x59: {  	[tilespmem:s24], [sflag:$0x3] =	stream.linear.gather [hbm4b:s12+s2], $0x2000, $0x38;
	[tilespmem:$0x1F900] =	vst v63  }
0x5a: {  	_ =	swait.ge [sflag:s23], $0x2000  }
0x5b: {  	[sflag:s23] =	ssyncset.done $0x0  }
0x5c: {  	s7 =	simm.s32 $0x80;
	[sflag:s23] =	ssyncadd.s32 $0xFFFFE000  }
0x5d: {  	[tilespmem:s22], [sflag:$0x1] =	stream.indirect.gather [hbm4b:s4+s7], $0x80, s2, s7, $0xb8;
	[tilespmem:$0x1F900] =	vst v63  }
0x5e: {  	_ = 	snop  }
0x5f: {  	[tilespmem:s26], [sflag:$0x2] =	stream.indirect.gather [hbm4b:s4+s25], $0x80, s7, s25, $0xb8;
	[tilespmem:$0x1F900] =	vst v63  }
0x60: {  	_ =	swait.ge [sflag:s28], $0x4000  }
0x61: {  	s31 =	simm.s32 $0x2;
	p2 =	sgt.s32 s13, $0x2;
	[sflag:s28] =	ssyncset.done $0x0  }
0x62: {  	s8 =	simm.s32 $0x2000;
	s0 =	smov.u32 s13;
	[sflag:s28] =	ssyncadd.s32 $0xFFFFC000  }
0x63: {  	[spmem:s1] =	stream.indirect.scatter.add.f32 [tilespmem:s22], [sflag:$0x3], $0x80, s8, s25, $0xb8;
	[tilespmem:$0x1F900] =	vst v63  }
0x64: {  	s0 =	smov.u32 @p2 s31;
	_ =	swait.ge [sflag:s23], $0x4000  }
0x65: {  	s0 =	sshll.u32 s0, $0x9;
	[sflag:s23] =	ssyncset.done $0x0  }
0x66: {  	s0 =	sshra.s32 s0, $0x2;
	[sflag:s23] =	ssyncadd.s32 $0xFFFFC000  }
0x67: {  	[tilespmem:s22], [sflag:$0x1] =	stream.indirect.gather [hbm4b:s4+s25], $0x80, s0, s25, $0xb8;
	[tilespmem:$0x1F900] =	vst v63  }
0x68: {  	p2 =	sne.s32 s20, $0x1;
	_ =	swait.ge [sflag:s29], $0x4000  }
.Ltmp3:
0x69: {  	[sflag:s29] =	ssyncset.done $0x0;
	(pc) =	sbr.rel @!p2 .LBB2_5-.Ltmp3, $4  }
0x6a: {  	s0 =	simm.s32 $0x2080;
	[sflag:s29] =	ssyncadd.s32 $0xFFFFC000  }
0x6b: {  	[spmem:s1] =	stream.indirect.scatter.add.f32 [tilespmem:s26], [sflag:$0x3], $0x80, s0, s25, $0xb8;
	[tilespmem:$0x1F900] =	vst v63  }
0x6c: {  	s3 =	simm.s32 $0x2080;
	_ =	swait.ge [sflag:s23], $0x4000  }
0x6d: {  	s6 =	sadd.s32 $0xFFFFFFFF, s20;
	s7 =	simm.s32 $0x180;
	[sflag:s23] =	ssyncset.done $0x0  }
.LBB2_4:
0x6e: {  	s3 =	smov.u32 s0  }
0x6f: {  	s31 =	sadd.s32 $0x2, s31;
	s0 =	sadd.s32 $0x100, s0;
	[sflag:s23] =	ssyncadd.s32 $0xFFFFC000  }
0x70: {  	[tilespmem:s26], [sflag:$0x2] =	stream.indirect.gather [hbm4b:s4+s25], $0x80, s7, s25, $0xb8;
	[tilespmem:$0x1F900] =	vst v63  }
0x71: {  	p2 =	sne.s32 s6, $0x1;
	s6 =	sadd.s32 $0xFFFFFFFF, s6;
	_ =	swait.ge [sflag:s28], $0x4000  }
0x72: {  	[sflag:s28] =	ssyncset.done $0x0  }
0x73: {  	s8 =	sadd.s32 $0xFFFFFF80, s0;
	p3 =	slt.s32 s31, s13;
	[sflag:s28] =	ssyncadd.s32 $0xFFFFC000  }
0x74: {  	[spmem:s1] =	stream.indirect.scatter.add.f32 [tilespmem:s22], [sflag:$0x3], $0x80, s8, s25, $0xb8;
	[tilespmem:$0x1F900] =	vst v63  }
0x75: {  	s8 =	smov.u32 s13  }
0x76: {  	_ =	swait.ge [sflag:s23], $0x4000;
	s8 =	smov.u32 @p3 s31  }
0x77: {  	[sflag:s23] =	ssyncset.done $0x0;
	s8 =	sshll.u32 s8, $0x9  }
0x78: {  	[sflag:s23] =	ssyncadd.s32 $0xFFFFC000;
	s8 =	sshra.s32 s8, $0x2  }
0x79: {  	[tilespmem:s22], [sflag:$0x1] =	stream.indirect.gather [hbm4b:s4+s25], $0x80, s8, s25, $0xb8;
	[tilespmem:$0x1F900] =	vst v63  }
0x7a: {  	_ =	swait.ge [sflag:s29], $0x4000  }
.Ltmp4:
0x7b: {  	[sflag:s29] =	ssyncset.done $0x0;
	(pc) =	sbr.rel @p2 .LBB2_4-.Ltmp4, $4  }
0x7c: {  	[sflag:s29] =	ssyncadd.s32 $0xFFFFC000  }
0x7d: {  	[spmem:s1] =	stream.indirect.scatter.add.f32 [tilespmem:s26], [sflag:$0x3], $0x80, s0, s25, $0xb8;
	[tilespmem:$0x1F900] =	vst v63  }
0x7e: {  	_ =	swait.ge [sflag:s23], $0x4000  }
0x7f: {  	s7 =	sadd.s32 $0x100, s7;
	[sflag:s23] =	ssyncset.done $0x0  }
.LBB2_5:
0x80: {  	[sflag:s23] =	ssyncadd.s32 $0xFFFFC000  }
0x81: {  	[tilespmem:s26], [sflag:$0x2] =	stream.indirect.gather [hbm4b:s4+s25], $0x80, s7, s25, $0xb8;
	[tilespmem:$0x1F900] =	vst v63  }
0x82: {  	_ =	swait.ge [sflag:s28], $0x4000  }
0x83: {  	[sflag:s28] =	ssyncset.done $0x0  }
0x84: {  	s6 =	sadd.s32 $0x2, s31;
	s3 =	sadd.s32 $0x80, s3;
	[sflag:s28] =	ssyncadd.s32 $0xFFFFC000  }
0x85: {  	[spmem:s1] =	stream.indirect.scatter.add.f32 [tilespmem:s22], [sflag:$0x3], $0x80, s3, s25, $0xb8;
	[tilespmem:$0x1F900] =	vst v63  }
0x86: {  	p2 =	slt.s32 s6, s13;
	s3 =	smov.u32 s13  }
0x87: {  	_ =	swait.ge [sflag:s23], $0x4000;
	s3 =	smov.u32 @p2 s6  }
0x88: {  	[sflag:s23] =	ssyncset.done $0x0;
	s3 =	sshll.u32 s3, $0x7  }
0x89: {  	[sflag:s23] =	ssyncadd.s32 $0xFFFFC000;
	s3 =	sand.u32 $0x3FFFFF80, s3  }
0x8a: {  	[tilespmem:s22], [sflag:$0x1] =	stream.indirect.gather [hbm4b:s4+s25], $0x80, s3, s25, $0xb8;
	[tilespmem:$0x1F900] =	vst v63  }
0x8b: {  	_ =	swait.ge [sflag:s29], $0x4000  }
0x8c: {  	[sflag:s29] =	ssyncset.done $0x0  }
0x8d: {  	s0 =	sadd.s32 $0x100, s0;
	[sflag:s29] =	ssyncadd.s32 $0xFFFFC000  }
0x8e: {  	[spmem:s1] =	stream.indirect.scatter.add.f32 [tilespmem:s26], [sflag:$0x3], $0x80, s0, s25, $0xb8;
	[tilespmem:$0x1F900] =	vst v63  }
0x8f: {  	_ =	swait.ge [sflag:s23], $0x4000  }
0x90: {  	[sflag:s23] =	ssyncset.done $0x0  }
0x91: {  	[sflag:s23] =	ssyncadd.s32 $0xFFFFC000  }
0x92: {  	_ =	swait.ge [sflag:s28], $0x4000  }
0x93: {  	[sflag:s28] =	ssyncset.done $0x0  }
0x94: {  	[sflag:s28] =	ssyncadd.s32 $0xFFFFC000  }
0x95: {  	[tilespmem:s2], [sflag:$0x3] =	stream.linear.gather [hbm4b:s14+s2], $0x2000, $0x38;
	[tilespmem:$0x1F900] =	vst v63  }
0x96: {  	_ =	swait.ge [sflag:s23], $0x2000  }
0x97: {  	[sflag:s23] =	ssyncset.done $0x0  }
.Ltmp5:
0x98: {  	[sflag:s23] =	ssyncadd.s32 $0xFFFFE000;
	(pc) =	sbr.rel @p1 .LBB2_9-.Ltmp5, $4  }
0x99: {  	[tilespmem:s24], [sflag:$0x3] =	stream.linear.gather [hbm4b:s15+s2], $0x2000, $0x38;
	[tilespmem:$0x1F900] =	vst v63  }
0x9a: {  	_ =	swait.ge [sflag:s23], $0x2000  }
0x9b: {  	[sflag:s23] =	ssyncset.done $0x0  }
0x9c: {  	[sflag:s23] =	ssyncadd.s32 $0xFFFFE000  }
0x9d: {  	s0 =	simm.s32 $0x80;
	s3 =	simm.s32 $0x0  }
0x9e: {  	[tilespmem:s22], [sflag:$0x1] =	stream.indirect.gather [hbm4b:s4+s0], $0x80, s3, s0, $0xb8;
	[tilespmem:$0x1F900] =	vst v63  }
0x9f: {  	_ = 	snop  }
0xa0: {  	[tilespmem:s26], [sflag:$0x2] =	stream.indirect.gather [hbm4b:s4+s25], $0x80, s0, s25, $0xb8;
	[tilespmem:$0x1F900] =	vst v63  }
0xa1: {  	_ =	swait.ge [sflag:s28], $0x4000  }
0xa2: {  	s31 =	simm.s32 $0x2;
	p2 =	sgt.s32 s16, $0x2;
	[sflag:s28] =	ssyncset.done $0x0  }
0xa3: {  	s3 =	smov.u32 s16;
	s0 =	simm.s32 $0x2000;
	[sflag:s28] =	ssyncadd.s32 $0xFFFFC000  }
0xa4: {  	[spmem:s1] =	stream.indirect.scatter.add.f32 [tilespmem:s22], [sflag:$0x3], $0x80, s0, s25, $0xb8;
	[tilespmem:$0x1F900] =	vst v63  }
0xa5: {  	s3 =	smov.u32 @p2 s31;
	_ =	swait.ge [sflag:s23], $0x4000  }
0xa6: {  	s3 =	sshll.u32 s3, $0x9;
	[sflag:s23] =	ssyncset.done $0x0  }
0xa7: {  	s3 =	sshra.s32 s3, $0x2;
	[sflag:s23] =	ssyncadd.s32 $0xFFFFC000  }
0xa8: {  	[tilespmem:s22], [sflag:$0x1] =	stream.indirect.gather [hbm4b:s4+s25], $0x80, s3, s25, $0xb8;
	[tilespmem:$0x1F900] =	vst v63  }
0xa9: {  	p2 =	sne.s32 s21, $0x2;
	_ =	swait.ge [sflag:s29], $0x4000  }
.Ltmp6:
0xaa: {  	[sflag:s29] =	ssyncset.done $0x0;
	(pc) =	sbr.rel @!p2 .LBB2_8-.Ltmp6, $4  }
0xab: {  	s8 =	simm.s32 $0x2080;
	[sflag:s29] =	ssyncadd.s32 $0xFFFFC000  }
0xac: {  	[spmem:s1] =	stream.indirect.scatter.add.f32 [tilespmem:s26], [sflag:$0x3], $0x80, s8, s25, $0xb8;
	[tilespmem:$0x1F900] =	vst v63  }
0xad: {  	_ =	swait.ge [sflag:s23], $0x4000  }
0xae: {  	s3 =	simm.s32 $0x180;
	[sflag:s23] =	ssyncset.done $0x0  }
.LBB2_7:
0xaf: {  	s31 =	sadd.s32 $0x2, s31  }
0xb0: {  	[sflag:s23] =	ssyncadd.s32 $0xFFFFC000;
	s0 =	sadd.s32 $0x100, s0;
	s6 =	smov.u32 s16  }
0xb1: {  	[tilespmem:s26], [sflag:$0x2] =	stream.indirect.gather [hbm4b:s4+s25], $0x80, s3, s25, $0xb8;
	[tilespmem:$0x1F900] =	vst v63  }
0xb2: {  	p3 =	slt.s32 s31, s16;
	p2 =	sne.s32 s21, s31;
	_ =	swait.ge [sflag:s28], $0x4000  }
0xb3: {  	s6 =	smov.u32 @p3 s31;
	[sflag:s28] =	ssyncset.done $0x0  }
0xb4: {  	s6 =	sshll.u32 s6, $0x9;
	[sflag:s28] =	ssyncadd.s32 $0xFFFFC000  }
0xb5: {  	[spmem:s1] =	stream.indirect.scatter.add.f32 [tilespmem:s22], [sflag:$0x3], $0x80, s0, s25, $0xb8;
	[tilespmem:$0x1F900] =	vst v63  }
0xb6: {  	_ =	swait.ge [sflag:s23], $0x4000  }
0xb7: {  	[sflag:s23] =	ssyncset.done $0x0  }
0xb8: {  	s6 =	sshra.s32 s6, $0x2;
	[sflag:s23] =	ssyncadd.s32 $0xFFFFC000  }
0xb9: {  	[tilespmem:s22], [sflag:$0x1] =	stream.indirect.gather [hbm4b:s4+s25], $0x80, s6, s25, $0xb8;
	[tilespmem:$0x1F900] =	vst v63  }
0xba: {  	_ =	swait.ge [sflag:s29], $0x4000  }
.Ltmp7:
0xbb: {  	[sflag:s29] =	ssyncset.done $0x0;
	(pc) =	sbr.rel @p2 .LBB2_7-.Ltmp7, $4  }
0xbc: {  	s6 =	sadd.s32 $0x80, s0;
	[sflag:s29] =	ssyncadd.s32 $0xFFFFC000  }
0xbd: {  	[spmem:s1] =	stream.indirect.scatter.add.f32 [tilespmem:s26], [sflag:$0x3], $0x80, s6, s25, $0xb8;
	[tilespmem:$0x1F900] =	vst v63  }
0xbe: {  	_ =	swait.ge [sflag:s23], $0x4000  }
0xbf: {  	s3 =	sadd.s32 $0x100, s3;
	[sflag:s23] =	ssyncset.done $0x0  }
.Ltmp8:
0xc0: {  	_ = 	snop;
	(pc) =	sbr.rel .LBB2_8-.Ltmp8, $1  }
0xc1: {  	_ =	sdelay $0x3  }
.LBB2_10:
0xc2: {  	_ =	sfence.sel $0x180000  }
0xc3: {  	[bflag:$0x0] =	sbarrier.arrive $0xFFFF  }
0xc4: {  	_ =	strace $0x9000004A  }
0xc5: {  	s0 =	stileid.u32;
	[bflag:$0x2] =	sbarrier.arrive $0xFFFF  }
0xc6: {  	p0 =	sne.s32 s0, $0x0;
	s0 =	rddreg [dreg:$0x2]  }
0xc7: {  	s0 =	sadd.s32 @!p0 $0x100000, s0  }
0xc8: {  	[sflag:s0] =	ssyncadd.tile.s32 @!p0 $0x1;
	_ =	shalt  }
.Lfunc_end2:
_tile_overlayer_lowered:
.L_overlay_start_2:
0xc9: {  	(tag) =	ssettag $0x2  }
0xca: {  	s0 =	rddreg [dreg:$0x0];
	s2 =	stileid.u32  }
0xcb: {  	s1 =	rddreg [dreg:$0x1];
	p0 =	sne.s32 s2, $0x0  }
0xcc: {  	s3 =	rddreg [dreg:$0x2];
	[bflag:$0x3] =	sbarrier.arrive $0xFFFF;
	s2 =	simm.s32 @!p0 $0x1C03  }
0xcd: {  	[timem:s3], [sflag:s2] =	dma.local @!p0 [hbm:s0], s1  }
0xce: {  	s0 =	simm.s32 @!p0 $0x3  }
0xcf: {  	_ =	swait.ge @!p0 [sflag:s0], s1  }
0xd0: {  	s1 =	ssub.s32 @!p0 $0x0, s1;
	[sflag:s0] =	ssyncset.done @!p0 $0x0  }
0xd1: {  	[sflag:s0] =	ssyncadd.s32 @!p0 s1  }
0xd2: {  	[bflag:$0x3] =	sbarrier.arrive $0xFFFF  }
0xd3: {  	_ =	shalt  }

// kernel: deg_sc.3.cloned.1.call-start
scs
__scs_entry_jumppad:
0x0: {  	(pc) =	sbr.rel $0x88, $3  }
0x1: {  	(tag) =	ssettag $0x0;
	lr =	simm.s32 $0x1  }
0x2: {  	[smem:$0x3F91] =	sst lr;
	_ =	strace $0xD0000000  }
0x3: {  	_ = 	snop  }
0x4: {  	_ = 	snop  }
0x5: {  	_ = 	snop  }
0x6: {  	_ = 	snop  }
0x7: {  	_ = 	snop  }
__scs_overlays_trampoline_lowered:
0x8: {  	[smem:$0x3FA0] =	sst s0  }
0x9: {  	[smem:$0x3FA1] =	sst s1  }
0xa: {  	[smem:$0x3FA2] =	sst s2  }
0xb: {  	[smem:$0x3FA3] =	sst s3  }
0xc: {  	[smem:$0x3FA4] =	sst s4  }
0xd: {  	[smem:$0x3FA5] =	sst s5  }
0xe: {  	[smem:$0x3FA6] =	sst s6  }
0xf: {  	[smem:$0x3FA7] =	sst s7  }
0x10: {  	[smem:$0x3FA8] =	sst s8  }
0x11: {  	[smem:$0x3FA9] =	sst s9;
	s0 =	simm.s32 @!p0 $0x0  }
0x12: {  	s1 =	sld [smem:$0x3F8F];
	s0 =	simm.s32 @p0 $0x1  }
0x13: {  	[smem:$0x3FAA] =	sst s0;
	s0 =	simm.s32 @!p1 $0x0  }
0x14: {  	s2 =	sld [smem:$0x3F8E];
	s0 =	simm.s32 @p1 $0x1  }
0x15: {  	[smem:$0x3FAB] =	sst s0;
	s0 =	simm.s32 @!p2 $0x0  }
0x16: {  	s3 =	sld [smem:$0x3FDB];
	s0 =	simm.s32 @p2 $0x1  }
0x17: {  	s4 =	simm.s32 $0x1BF5;
	[smem:$0x3FAD] =	sst s0  }
0x18: {  	s0 =	sld [smem:$0x3F90];
	_ =	swait.ge [sflag:s4], $0x0  }
0x19: {  	s7 =	sld [smem:$0x3F91]  }
0x1a: {  	s8 =	sadd.s32 $0xFFFFE003, lr  }
0x1b: {  	s9 =	sadd.s32 $0xFFFFFEF7, lr;
	s5 =	simm.s32 $0xFFFFFFFF;
	p2 =	slt.u32 s8, $0xFFFFF086  }
0x1c: {  	p1 =	slt.u32 s9, $0xF7A;
	s5 =	simm.s32 @!p2 $0x0  }
0x1d: {  	s5 =	simm.s32 @p1 $0x1;
	p0 =	seq.s32 s7, s2  }
0x1e: {  	s7 =	smul.u32 @!p0 $0xF7A, s2;
	p2 =	seq.s32 @!p0 s5, $0x0  }
0x1f: {  	s9 =	smul.u32 $0xF7A, s1;
	s8 =	simm.s32 @!p0 $0x1BF5;
	p2 =	por !p2, p0  }
0x20: {  	[sflag:s8] =	ssyncset.s32 @!p0 $0xFFFFF086;
	s6 =	sadd.s32 @!p0 s3, s7;
	s7 =	simm.s32 @!p0 $0x108  }
0x21: {  	s3 =	sadd.s32 s3, s9;
	s6 =	sadd.s32 @!p0 $0x88, s6;
	s7 =	simm.s32 @p2 $0x1082  }
0x22: {  	[simem:s7], [sflag:s8] =	dma.local @!p0 [hbm:s6], $0xF7A  }
0x23: {  	s9 =	sor.u32 $0xD0000000, s2;
	s6 =	simm.s32 $0x108;
	_ =	swait.ge @!p0 [sflag:s8], $0x0  }
0x24: {  	s3 =	sadd.s32 $0x88, s3;
	s6 =	simm.s32 @!p1 $0x1082;
	[sflag:s4] =	ssyncset.s32 $0xFFFFF086  }
0x25: {  	[simem:s6], [sflag:s4] =	dma.local [hbm:s3], $0xF7A  }
0x26: {  	[smem:$0x3F91] =	sst s1;
	(tag) =	ssettag s2;
	_ =	strace s9  }
0x27: {  	s1 =	sld [smem:$0x3FA1]  }
0x28: {  	s2 =	sld [smem:$0x3FA2]  }
0x29: {  	s4 =	sld [smem:$0x3FA4]  }
0x2a: {  	p0 =	seq.s32 s5, $0x0;
	s5 =	sld [smem:$0x3FA5]  }
0x2b: {  	s6 =	sld [smem:$0x3FA6]  }
0x2c: {  	s7 =	sld [smem:$0x3FA7]  }
0x2d: {  	s3 =	simm.s32 $0x108;
	s8 =	sld [smem:$0x3FA8]  }
0x2e: {  	s3 =	simm.s32 @!p0 $0x1082;
	s9 =	sld [smem:$0x3FA9]  }
0x2f: {  	lr =	sadd.s32 s0, s3;
	s0 =	sld [smem:$0x3FA0]  }
0x30: {  	s3 =	sld [smem:$0x3FA3]  }
0x31: {  	[smem:$0x3FAC] =	sst s10  }
0x32: {  	s10 =	sld [smem:$0x3FAA];
	_ =	sdelay $0x3  }
0x33: {  	p0 =	seq.s32 s10, $0x1;
	s10 =	sld [smem:$0x3FAC];
	_ =	sdelay $0x3  }
0x34: {  	[smem:$0x3FAC] =	sst s10  }
0x35: {  	s10 =	sld [smem:$0x3FAB];
	_ =	sdelay $0x3  }
0x36: {  	p1 =	seq.s32 s10, $0x1;
	s10 =	sld [smem:$0x3FAC];
	_ =	sdelay $0x3  }
0x37: {  	[smem:$0x3FAC] =	sst s10  }
0x38: {  	s10 =	sld [smem:$0x3FAD]  }
0x39: {  	_ = 	snop;
	(pc) =	sbr.ind lr, $3  }
0x3a: {  	_ = 	snop  }
0x3b: {  	_ = 	snop  }
0x3c: {  	p2 =	seq.s32 s10, $0x1;
	s10 =	sld [smem:$0x3FAC]  }
0x3d: {  	_ =	shalt  }
0x3e: {  	_ =	shalt  }
0x3f: {  	_ =	shalt  }
0x40: {  	_ =	shalt  }
0x41: {  	_ =	shalt  }
0x42: {  	_ =	shalt  }
0x43: {  	_ =	shalt  }
0x44: {  	_ =	shalt  }
0x45: {  	_ =	shalt  }
0x46: {  	_ =	shalt  }
0x47: {  	_ =	shalt  }
0x48: {  	_ =	shalt  }
0x49: {  	_ =	shalt  }
0x4a: {  	_ =	shalt  }
0x4b: {  	_ =	shalt  }
0x4c: {  	_ =	shalt  }
0x4d: {  	_ =	shalt  }
0x4e: {  	_ =	shalt  }
0x4f: {  	_ =	shalt  }
0x50: {  	_ =	shalt  }
0x51: {  	_ =	shalt  }
0x52: {  	_ =	shalt  }
0x53: {  	_ =	shalt  }
0x54: {  	_ =	shalt  }
0x55: {  	_ =	shalt  }
0x56: {  	_ =	shalt  }
0x57: {  	_ =	shalt  }
0x58: {  	_ =	shalt  }
0x59: {  	_ =	shalt  }
0x5a: {  	_ =	shalt  }
0x5b: {  	_ =	shalt  }
0x5c: {  	_ =	shalt  }
0x5d: {  	_ =	shalt  }
0x5e: {  	_ =	shalt  }
0x5f: {  	_ =	shalt  }
0x60: {  	_ =	shalt  }
0x61: {  	_ =	shalt  }
0x62: {  	_ =	shalt  }
0x63: {  	_ =	shalt  }
0x64: {  	_ =	shalt  }
0x65: {  	_ =	shalt  }
0x66: {  	_ =	shalt  }
0x67: {  	_ =	shalt  }
0x68: {  	_ =	shalt  }
0x69: {  	_ =	shalt  }
0x6a: {  	_ =	shalt  }
0x6b: {  	_ =	shalt  }
0x6c: {  	_ =	shalt  }
0x6d: {  	_ =	shalt  }
0x6e: {  	_ =	shalt  }
0x6f: {  	_ =	shalt  }
0x70: {  	_ =	shalt  }
0x71: {  	_ =	shalt  }
0x72: {  	_ =	shalt  }
0x73: {  	_ =	shalt  }
0x74: {  	_ =	shalt  }
0x75: {  	_ =	shalt  }
0x76: {  	_ =	shalt  }
0x77: {  	_ =	shalt  }
0x78: {  	_ =	shalt  }
0x79: {  	_ =	shalt  }
0x7a: {  	_ =	shalt  }
0x7b: {  	_ =	shalt  }
0x7c: {  	_ =	shalt  }
0x7d: {  	_ =	shalt  }
0x7e: {  	_ =	shalt  }
0x7f: {  	_ =	shalt  }
0x80: {  	_ =	shalt  }
0x81: {  	_ =	shalt  }
0x82: {  	_ =	shalt  }
0x83: {  	_ =	shalt  }
0x84: {  	_ =	shalt  }
0x85: {  	_ =	shalt  }
0x86: {  	_ =	shalt  }
0x87: {  	_ =	shalt  }
.Lfunc_end0:
.L_simem_size_0:
called_computation.1_lowered:
.L_overlay_start_0:
0x88: {  	s2 =	sld [smem:$0x3FD9]  }
0x89: {  	s3 =	sld [smem:$0x3FFE];
	_ =	sdelay $0x1  }
0x8a: {  	s1 =	srdreg.scid  }
0x8b: {  	s0 =	sand.u32 $0x1, s1  }
0x8c: {  	s16 =	sshll.u32 s0, $0xA;
	s2 =	sadd.s32 s3, s2  }
0x8d: {  	s2 =	sadd.s32 s2, s16  }
0x8e: {  	[smem:$0x3FB8] =	sst s2  }
0x8f: {  	_ = 	snop  }
0x90: {  	(tm) =	ssettm $0x1  }
0x91: {  	s17 =	sld [smem:$0x3FFB];
	_ =	sdelay $0x3  }
0x92: {  	_ =	strace s17  }
0x93: {  	s2 =	sld [smem:$0x3FFC];
	_ =	sdelay $0x3  }
0x94: {  	_ =	strace s2  }
0x95: {  	s2 =	sld [smem:$0x3FFD];
	_ =	sdelay $0x3  }
0x96: {  	_ =	strace s2  }
0x97: {  	_ =	strace $0x8FFFFFFF  }
0x98: {  	s18 =	sld [smem:$0x3FDB];
	_ =	sdelay $0x1  }
0x99: {  	s19 =	simm.s32 $_scs_section_size  }
0x9a: {  	s4 =	simm.s32 $_size__tile_overlayer_lowered;
	s5 =	simm.s32 $_tile_overlayer_lowered  }
0x9b: {  	s22 =	simm.s32 $0x1BFF;
	s21 =	sshll.u32 s5, $0x1;
	s2 =	sadd.s32 s19, s18  }
0x9c: {  	s6 =	simm.s32 $0x0;
	s20 =	sshll.u32 s4, $0x1;
	s4 =	sadd.s32 s21, s2  }
0x9d: {  	[timem:s6], [sflag:s22] =	dma.local [hbm:s4], s20  }
0x9e: {  	_ =	swait.ge [sflag:s22], s20  }
0x9f: {  	s3 =	ssub.s32 $0x0, s20;
	[sflag:s22] =	ssyncset.done $0x0  }
0xa0: {  	[sflag:s22] =	ssyncadd.s32 s3;
	_ =	sdelay $0x1  }
0xa1: {  	s23 =	simm.s32 $0x1B8B  }
0xa2: {  	_ =	swait.ge [sflag:s23], $0x1  }
0xa3: {  	[sflag:s23] =	ssyncset.done $0x0  }
0xa4: {  	s25 =	simm.s32 $0x1B8E;
	s24 =	sld [smem:$0x3FFE];
	[sflag:s23] =	ssyncadd.s32 $0xFFFFFFFF  }
0xa5: {  	s26 =	simm.s32 $execute0_lowered;
	[smem:$0x3FD2] =	sst s25  }
0xa6: {  	s4 =	sshll.u32 s26, $0x1;
	_ =	strace $0x80000046;
	[dreg:$0x1] =	wrdreg $0xFFFFFFFF  }
0xa7: {  	s28 =	simm.s32 $_size_execute0_lowered;
	s2 =	sadd.s32 s2, s4;
	[dreg:$0x0] =	wrdreg $0x0  }
0xa8: {  	s4 =	sshll.u32 s28, $0x1;
	[dreg:$0x2] =	wrdreg s2  }
0xa9: {  	[dreg:$0x3] =	wrdreg s4  }
0xaa: {  	[dreg:$0x4] =	wrdreg $0xC0  }
0xab: {  	_ =	task [dreg:s6], $0x5FFFF  }
0xac: {  	[dreg:$0x1] =	wrdreg $0xFFFFFFFF  }
0xad: {  	[dreg:$0x0] =	wrdreg $0x60  }
0xae: {  	[dreg:$0x2] =	wrdreg s24  }
0xaf: {  	[dreg:$0x3] =	wrdreg $0x68000  }
0xb0: {  	[dreg:$0x4] =	wrdreg $0x9  }
0xb1: {  	_ =	task.clear_ibuf [dreg:s6], $0x5FFFF;
	_ =	strace $0x90000046  }
0xb2: {  	s29 =	simm.s32 $0x9;
	_ =	strace $0x80000048  }
0xb3: {  	_ =	swait.ge [sflag:s29], $0x1  }
0xb4: {  	[sflag:s29] =	ssyncadd.s32 $0xFFFFFFFF  }
0xb5: {  	_ =	strace $0x90000048  }
0xb6: {  	_ =	sfence  }
0xb7: {  	s30 =	sld [smem:$0x0];
	_ =	sdelay $0x2  }
0xb8: {  	s31 =	sshll.u32 s1, $0xD;
	s1 =	sshrl.u32 s1, $0x2  }
0xb9: {  	s3 =	sand.u32 $0x4000, s31;
	s1 =	sadd.s32 s1, s30  }
0xba: {  	s0 =	sor.u32 s3, s0;
	s1 =	sshll.u32 s1, $0x11  }
0xbb: {  	s0 =	sor.u32 s1, s0  }
0xbc: {  	s0 =	sadd.s32 $0x8F2B, s0  }
0xbd: {  	[sflag:s0] =	ssyncadd.remote.s32 $0x1  }
0xbe: {  	_ =	sfence.sel $0xFFFF  }
0xbf: {  	[dreg:$0x0] =	wrdreg $0xFFFFFFFF;
	(pc) =	sbr.abs _section_cstart, $3  }
0xc0: {  	[dreg:$0x1] =	wrdreg $0xFFFFFFFF  }
0xc1: {  	_ =	task.clear_ibuf [dreg:s6], $0x2FFFF;
	_ =	strace $0x9FFFFFFF  }
0xc2: {  	(tm) =	ssettm $0x7FFFFFFF  }
0xc3: {  	_ =	shalt  }
tec
execute0_lowered:
.L_overlay_start_1:
0x0: {  	(tag) =	ssettag $0x1  }
0x1: {  	s5 =	rddreg [dreg:$0x0]  }
0x2: {  	s0 =	srdreg.scid;
	s2 =	rddreg [dreg:$0x1]  }
0x3: {  	s3 =	simm.s32 $0x0;
	s4 =	sand.u32 $0x1, s0;
	s0 =	stileid.u32  }
0x4: {  	s16 =	simm.s32 $0x80;
	[smem:$0x7FF] =	sst s3;
	s7 =	smul.u32 $0x4E000, s0  }
0x5: {  	s12 =	sadd.s32 $0xDA00, s5;
	s1 =	sshll.u32 s4, $0x4;
	s11 =	smul.u32 $0x138800, s4  }
0x6: {  	s29 =	ssub.s32 $0x2, s4;
	s9 =	smul.u32 $0x13800, s0;
	p0 =	sne.s32 s0, $0xF  }
0x7: {  	s17 =	sshll.u32 s0, $0x6;
	s6 =	sor.u32 s0, s1;
	s1 =	rddreg [dreg:$0x2]  }
0x8: {  	_ =	strace $0x80000047;
	s31 =	sshrl.u32 s29, $0x1;
	s17 =	sor.u32 $0x1C01, s17  }
0x9: {  	s6 =	smul.u32 $0x500, s6;
	s30 =	sshrl.u32 s7, $0x2;
	s13 =	ssub.s32 s29, s31  }
0xa: {  	s14 =	sadd.s32 s9, s11;
	s9 =	sadd.s32 $0x138000, s2;
	s15 =	sshrl.u32 s11, $0x3  }
0xb: {  	s4 =	sadd.s32 s30, s2;
	s14 =	sshrl.u32 s14, $0x3;
	s13 =	smax.u32 s13, $0x1  }
0xc: {  	s10 =	sadd.s32 s6, s5;
	s5 =	sadd.s32 $0x4000, s4;
	s6 =	sadd.s32 $0x8000, s4  }
0xd: {  	s7 =	sadd.s32 $0xC000, s4;
	s8 =	sadd.s32 $0x10000, s4;
	s11 =	sadd.s32 s12, s14  }
0xe: {  	s12 =	sadd.s32 s12, s15;
	s14 =	simm.s32 $0x2800;
	s15 =	simm.s32 $0x1  }
0xf: {  	v0 =	vimm.f32 $0.0e+00;
	v1 =	vimm.f32 $1.000000000e+00;
	s18 =	sshrl.u32 s4, $0x3;
	s10 =	sadd.s32 $0x3A00, s10;
	s12 =	sadd.s32 $0x27000, s12  }
.LBB2_1:
0x10: {  	s19 =	simm.s32 $0x0;
	s20 =	simm.s32 $0x200  }
.LBB2_2:
0x11: {  	p1 =	sne.s32 s20, $0xFE00;
	[tilespmem:s19+$0x2870] =	vst v0  }
0x12: {  	[tilespmem:s19+$0x2800] =	vst v0  }
0x13: {  	[tilespmem:s19+$0x2810] =	vst v0  }
.Ltmp0:
0x14: {  	[tilespmem:s19+$0x2820] =	vst v0;
	(pc) =	sbr.rel @p1 .LBB2_2-.Ltmp0, $4  }
0x15: {  	[tilespmem:s19+$0x2830] =	vst v0  }
0x16: {  	[tilespmem:s19+$0x2840] =	vst v0  }
0x17: {  	[tilespmem:s19+$0x2850] =	vst v0  }
0x18: {  	[tilespmem:s19+$0x2860] =	vst v0;
	s19 =	sshra.s32 s20, $0x2;
	s20 =	sadd.s32 $0x200, s20  }
0x19: {  	[tilespmem:s19+$0x2870] =	vst v0  }
0x1a: {  	[tilespmem:s19+$0x2800] =	vst v0  }
0x1b: {  	[tilespmem:s19+$0x2810] =	vst v0  }
0x1c: {  	[tilespmem:s19+$0x2820] =	vst v0  }
0x1d: {  	[tilespmem:s19+$0x2830] =	vst v0  }
0x1e: {  	[tilespmem:s19+$0x2840] =	vst v0  }
0x1f: {  	[tilespmem:s19+$0x2850] =	vst v0  }
0x20: {  	[tilespmem:s19+$0x2860] =	vst v0  }
0x21: {  	[spmem:s4] =	stream.linear.scatter [tilespmem:s14], [sflag:$0x1], $0x4000, $0x38;
	[tilespmem:$0x1A100] =	vst v63  }
0x22: {  	_ =	swait.ge [sflag:s15], $0x4000  }
0x23: {  	[sflag:s15] =	ssyncset.done $0x0  }
0x24: {  	[sflag:s15] =	ssyncadd.s32 $0xFFFFC000  }
0x25: {  	[spmem:s5] =	stream.linear.scatter [tilespmem:s14], [sflag:$0x1], $0x4000, $0x38;
	[tilespmem:$0x1A100] =	vst v63  }
0x26: {  	_ =	swait.ge [sflag:s15], $0x4000  }
0x27: {  	[sflag:s15] =	ssyncset.done $0x0  }
0x28: {  	[sflag:s15] =	ssyncadd.s32 $0xFFFFC000  }
0x29: {  	[spmem:s6] =	stream.linear.scatter [tilespmem:s14], [sflag:$0x1], $0x4000, $0x38;
	[tilespmem:$0x1A100] =	vst v63  }
0x2a: {  	_ =	swait.ge [sflag:s15], $0x4000  }
0x2b: {  	[sflag:s15] =	ssyncset.done $0x0  }
0x2c: {  	[sflag:s15] =	ssyncadd.s32 $0xFFFFC000  }
0x2d: {  	[spmem:s7] =	stream.linear.scatter [tilespmem:s14], [sflag:$0x1], $0x4000, $0x38;
	[tilespmem:$0x1A100] =	vst v63  }
0x2e: {  	_ =	swait.ge [sflag:s15], $0x4000  }
0x2f: {  	[sflag:s15] =	ssyncset.done $0x0  }
0x30: {  	[sflag:s15] =	ssyncadd.s32 $0xFFFFC000  }
0x31: {  	[spmem:s8] =	stream.linear.scatter [tilespmem:s14], [sflag:$0x1], $0x3800, $0x38;
	[tilespmem:$0x1A100] =	vst v63  }
0x32: {  	_ =	swait.ge [sflag:s15], $0x3800  }
0x33: {  	[sflag:s15] =	ssyncset.done $0x0  }
0x34: {  	s19 =	simm.s32 @!p0 $0x2800;
	[sflag:s15] =	ssyncadd.s32 $0xFFFFC800  }
0x35: {  	[spmem:s9] =	stream.linear.scatter @!p0 [tilespmem:s19], [sflag:$0x1], $0x1000, $0x38;
	[tilespmem:$0x1A100] =	vst v63  }
0x36: {  	s19 =	simm.s32 @!p0 $0x1  }
0x37: {  	_ =	swait.ge @!p0 [sflag:s19], $0x1000  }
0x38: {  	[sflag:s19] =	ssyncset.done @!p0 $0x0  }
0x39: {  	s20 =	simm.s32 $0x200;
	[sflag:s19] =	ssyncadd.s32 @!p0 $0xFFFFF000;
	s19 =	simm.s32 $0x0  }
.LBB2_4:
0x3a: {  	p1 =	sne.s32 s20, $0xFE00;
	[tilespmem:s19+$0x2870] =	vst v1  }
0x3b: {  	[tilespmem:s19+$0x2800] =	vst v1  }
0x3c: {  	[tilespmem:s19+$0x2810] =	vst v1  }
.Ltmp1:
0x3d: {  	[tilespmem:s19+$0x2820] =	vst v1;
	(pc) =	sbr.rel @p1 .LBB2_4-.Ltmp1, $4  }
0x3e: {  	[tilespmem:s19+$0x2830] =	vst v1  }
0x3f: {  	[tilespmem:s19+$0x2840] =	vst v1  }
0x40: {  	[tilespmem:s19+$0x2850] =	vst v1  }
0x41: {  	[tilespmem:s19+$0x2860] =	vst v1;
	s19 =	sshra.s32 s20, $0x2;
	s20 =	sadd.s32 $0x200, s20  }
0x42: {  	[tilespmem:s19+$0x2870] =	vst v1  }
0x43: {  	[tilespmem:s19+$0x2800] =	vst v1  }
0x44: {  	[tilespmem:s19+$0x2810] =	vst v1  }
0x45: {  	[tilespmem:s19+$0x2820] =	vst v1  }
0x46: {  	[tilespmem:s19+$0x2830] =	vst v1  }
0x47: {  	[tilespmem:s19+$0x2840] =	vst v1  }
0x48: {  	[tilespmem:s19+$0x2850] =	vst v1  }
0x49: {  	[tilespmem:s19+$0x2860] =	vst v1;
	s30 =	simm.s32 $0x0  }
0x4a: {  	[tilespmem:s30], [sflag:$0x1] =	stream.linear.gather [hbm4b:s10+s30], $0x2800, $0x38;
	[tilespmem:$0x1A100] =	vst v63  }
0x4b: {  	_ =	swait.ge [sflag:s15], $0x2800  }
0x4c: {  	[sflag:s15] =	ssyncset.done $0x0  }
0x4d: {  	[sflag:s15] =	ssyncadd.s32 $0xFFFFD800  }
0x4e: {  	s31 =	simm.s32 $0x0;
	[bflag:$0x0] =	sbarrier.arrive $0xFFFF  }
0x4f: {  	[spmem:s2] =	stream.indirect.scatter.add.f32 [tilespmem:s14], [sflag:$0x1], $0x80, s31, s16, $0xb8;
	[tilespmem:$0x1A100] =	vst v63  }
0x50: {  	_ =	swait.ge [sflag:s15], $0x4000  }
0x51: {  	s19 =	simm.s32 $0x200;
	[sflag:s15] =	ssyncset.done $0x0  }
.LBB2_6:
0x52: {  	s20 =	sshra.s32 s19, $0x2;
	[sflag:s15] =	ssyncadd.s32 $0xFFFFC000;
	p1 =	sne.s32 s19, $0x9E00  }
0x53: {  	[spmem:s2] =	stream.indirect.scatter.add.f32 [tilespmem:s14], [sflag:$0x1], $0x80, s20, s16, $0xb8;
	[tilespmem:$0x1A100] =	vst v63  }
.Ltmp2:
0x54: {  	_ = 	snop;
	(pc) =	sbr.rel @p1 .LBB2_6-.Ltmp2, $4  }
0x55: {  	_ = 	snop  }
0x56: {  	s19 =	sadd.s32 $0x200, s19  }
0x57: {  	_ =	swait.ge [sflag:s15], $0x4000  }
0x58: {  	[sflag:s15] =	ssyncset.done $0x0  }
0x59: {  	[sflag:s15] =	ssyncadd.s32 $0xFFFFC000  }
0x5a: {  	[bflag:$0x0] =	sbarrier.arrive $0xFFFF  }
0x5b: {  	[hbm:s11], [sflag:s17] =	dma.local [spmem:s18], $0x2700  }
0x5c: {  	_ =	swait.ge [sflag:s15], $0x2700  }
0x5d: {  	s3 =	sadd.s32 $0x1, s3;
	[sflag:s15] =	ssyncset.done $0x0  }
0x5e: {  	s19 =	sshrl.u32 @!p0 s9, $0x3;
	p1 =	sne.s32 s3, s13;
	[sflag:s15] =	ssyncadd.s32 $0xFFFFD900  }
0x5f: {  	[hbm:s12], [sflag:s17] =	dma.local @!p0 [spmem:s19], $0x100  }
.Ltmp3:
0x60: {  	_ = 	snop;
	(pc) =	sbr.rel @p1 .LBB2_1-.Ltmp3, $4  }
0x61: {  	s19 =	simm.s32 @!p0 $0x1  }
0x62: {  	_ =	swait.ge @!p0 [sflag:s19], $0x100  }
0x63: {  	[sflag:s19] =	ssyncset.done @!p0 $0x0  }
0x64: {  	[sflag:s19] =	ssyncadd.s32 @!p0 $0xFFFFFF00  }
0x65: {  	_ =	sfence.sel $0x180000  }
0x66: {  	[bflag:$0x0] =	sbarrier.arrive $0xFFFF  }
0x67: {  	p0 =	sne.s32 s0, $0x0;
	_ =	strace $0x90000047  }
0x68: {  	s0 =	sadd.s32 @!p0 $0x100000, s1;
	[bflag:$0x2] =	sbarrier.arrive $0xFFFF  }
0x69: {  	[sflag:s0] =	ssyncadd.tile.s32 @!p0 $0x1;
	_ =	shalt  }
.Lfunc_end2:
_tile_overlayer_lowered:
.L_overlay_start_2:
0x6a: {  	(tag) =	ssettag $0x2  }
0x6b: {  	s0 =	rddreg [dreg:$0x0];
	s2 =	stileid.u32  }
0x6c: {  	s1 =	rddreg [dreg:$0x1];
	p0 =	sne.s32 s2, $0x0  }
0x6d: {  	s3 =	rddreg [dreg:$0x2];
	[bflag:$0x3] =	sbarrier.arrive $0xFFFF;
	s2 =	simm.s32 @!p0 $0x1C01  }
0x6e: {  	[timem:s3], [sflag:s2] =	dma.local @!p0 [hbm:s0], s1  }
0x6f: {  	s0 =	simm.s32 @!p0 $0x1  }
0x70: {  	_ =	swait.ge @!p0 [sflag:s0], s1  }
0x71: {  	s1 =	ssub.s32 @!p0 $0x0, s1;
	[sflag:s0] =	ssyncset.done @!p0 $0x0  }
0x72: {  	[sflag:s0] =	ssyncadd.s32 @!p0 s1  }
0x73: {  	[bflag:$0x3] =	sbarrier.arrive $0xFFFF  }
0x74: {  	_ =	shalt  }

</sc_bundles>
